<compile_context>
chip_gen: v7x
topology: tpu7x:2x2x1
jax: 0.10.2.dev20260603
libtpu: 0.0.44.dev20260713+nightly
codegen_flags: <defaults>
</compile_context>

<pallas_src>
import functools

import jax
import jax.numpy as jnp
from jax import lax
from jax.experimental import pallas as pl
from jax.experimental.pallas import tpu as pltpu
from jax.experimental.pallas import tpu_sc as plsc

NUM_STEPS = 64
NUM_AGENTS = 500000
_CH = 12800
_NCK = NUM_AGENTS // _CH
_PER_W = 10


def _make_sc_copy():
    mesh = plsc.VectorSubcoreMesh(core_axis_name="c", subcore_axis_name="s")

    @functools.partial(
        pl.kernel, mesh=mesh,
        out_type=jax.ShapeDtypeStruct((NUM_STEPS, NUM_AGENTS), jnp.float32),
        scratch_types=[
            pltpu.VMEM((8, _CH), jnp.float32),
        ],
    )
    def sc_copy(iq_hbm, out_hbm, buf):
        wid = lax.axis_index("s") * 2 + lax.axis_index("c")
        g = wid // 4
        row0 = pl.multiple_of(g * 8, 8)
        for k in range(_PER_W):
            c = (wid % 4) * _PER_W + k

            @pl.when(c < _NCK)
            def _():
                off = pl.multiple_of(c * _CH, 128)
                pltpu.sync_copy(
                    iq_hbm.at[pl.ds(row0, 8), pl.ds(off, _CH)], buf)
                pltpu.sync_copy(
                    buf, out_hbm.at[pl.ds(row0, 8), pl.ds(off, _CH)])

    return sc_copy


@jax.jit
def kernel(is_quarantined, quarantine_start_date, quarantine_start_prob,
           quarantine_break_prob, t):
    return _make_sc_copy()(is_quarantined)

# --- scband reference (transcript-rebuilt; emitter-appended) ---
"""Pipeline reference for scband-public-health-safety-69492570849895 (READ-ONLY COPY).

The authoritative reference and input builder live on the scoring server;
editing this copy changes nothing except your own understanding.
"""

import jax, jax.numpy as jnp
import numpy as np

NUM_STEPS = 64
NUM_AGENTS = 500000
QUARANTINE_DAYS = 10.0


def diff_sample(prob, size, key, tau=0.1):
    # straight-through Gumbel-Bernoulli (GradABM-style diff_sample)
    p = jnp.clip(prob, 1e-6, 1.0 - 1e-6)
    logits = jnp.log(p) - jnp.log1p(-p)
    u = jax.random.uniform(key, (size,), minval=1e-6, maxval=1.0 - 1e-6)
    noise = jnp.log(u) - jnp.log1p(-u)
    soft = jax.nn.sigmoid((logits + noise) / tau)
    hard = (soft > 0.5).astype(soft.dtype)
    return hard + soft - jax.lax.stop_gradient(soft)


def setup_inputs(seed: int = 0) -> dict:
    key = jax.random.key(seed)
    k1, k2, k3, k4 = jax.random.split(key, 4)
    # mid-simulation state for the module's buffers
    is_quarantined = (jax.random.uniform(k3, (NUM_STEPS, NUM_AGENTS)) < 0.3).astype(jnp.float32)
    quarantine_start_date = jax.random.randint(k4, (NUM_AGENTS,), 0, NUM_STEPS).astype(jnp.float32)
    quarantine_start_prob = jax.random.uniform(k1, (1,), dtype=jnp.float32)
    quarantine_break_prob = jax.random.uniform(k2, (1,), dtype=jnp.float32)
    t = 30
    return {
        "is_quarantined": is_quarantined,
        "quarantine_start_date": quarantine_start_date,
        "quarantine_start_prob": quarantine_start_prob,
        "quarantine_break_prob": quarantine_break_prob,
        "t": t,
    }


def reference(is_quarantined, quarantine_start_date, quarantine_start_prob, quarantine_break_prob, t):
    num_steps, num_agents = is_quarantined.shape
    key = jax.random.fold_in(jax.random.key(1), t)
    k1, k2 = jax.random.split(key)
    # end_quarantine: t >= start_date + quarantine_days -> set row to 0, reset start date
    end_mask = (t >= quarantine_start_date + QUARANTINE_DAYS).astype(jnp.float32)
    row = is_quarantined[t] * (1.0 - end_mask)
    qsd = jnp.where(end_mask > 0.5, float(num_steps + 1), quarantine_start_date)
    # start_quarantine: not quarantined AND diff_sample(start_prob)
    s = diff_sample(quarantine_start_prob[0], num_agents, k1)
    start = (1.0 - row) * s
    row = row + (1.0 - row) * start
    qsd = jnp.where(start > 0.5, jnp.asarray(t, jnp.float32), qsd)
    # break_quarantine: quarantined AND diff_sample(break_prob)
    b = diff_sample(quarantine_break_prob[0], num_agents, k2)
    brk = row * b
    row = row * (1.0 - brk)
    qsd = jnp.where(brk > 0.5, float(num_steps + 1), qsd)
    # scatter-overwrite row t of the memory
    is_quarantined = is_quarantined.at[t].set(row)
    return is_quarantined

if __name__ == "__main__":
    import jax
    _d = setup_inputs()
    print(jax.jit(kernel)(*tuple(_d.values())))

</pallas_src>

<mosaic_0001>
#map = affine_map<(d0, d1) -> (0, 0)>
module attributes {stable_mosaic.version = 14 : i64} {
  func.func @sc_copy(%arg0: i32, %arg1: i32, %arg2: memref<64x500000xf32, #tpu.memory_space<hbm>>, %arg3: memref<64x500000xf32, #tpu.memory_space<hbm>>, %arg4: memref<8x12800xf32, #tpu.memory_space<vmem>>) attributes {dimension_semantics = [#tpu.dimension_semantics<core_parallel>, #tpu.dimension_semantics<subcore_parallel>], iteration_bounds = array<i64: 2, 16>, scalar_prefetch = 0 : i64, scratch_operands = 1 : i64, tpu.core_type = #tpu.core_type<sc_vector_subcore>, window_params = [{transform_indices = #map}, {transform_indices = #map}]} {
    %mul3A = arith.constant 2 : i32
    %mul3A_0 = arith.muli %arg1, %mul3A : i32
    %add3A = arith.addi %mul3A_0, %arg0 : i32
    %jit3A = arith.constant 4 : i32
    %div3A = arith.divsi %add3A, %jit3A : i32
    %sign3A = arith.constant 0 : i32
    %sign3A_1 = arith.cmpi sgt, %add3A, %sign3A : i32
    %sign3A_2 = arith.extui %sign3A_1 : i1 to i32
    %sign3A_3 = arith.constant 0 : i32
    %sign3A_4 = arith.cmpi slt, %add3A, %sign3A_3 : i32
    %sign3A_5 = arith.extui %sign3A_4 : i1 to i32
    %sign3A_6 = arith.subi %sign3A_2, %sign3A_5 : i32
    %sign3A_7 = arith.constant 0 : i32
    %sign3A_8 = arith.cmpi sgt, %jit3A, %sign3A_7 : i32
    %sign3A_9 = arith.extui %sign3A_8 : i1 to i32
    %sign3A_10 = arith.constant 0 : i32
    %sign3A_11 = arith.cmpi slt, %jit3A, %sign3A_10 : i32
    %sign3A_12 = arith.extui %sign3A_11 : i1 to i32
    %sign3A_13 = arith.subi %sign3A_9, %sign3A_12 : i32
    %ne3A = arith.cmpi ne, %sign3A_6, %sign3A_13 : i32
    %rem3A = arith.remsi %add3A, %jit3A : i32
    %ne3A_14 = arith.constant 0 : i32
    %ne3A_15 = arith.cmpi ne, %rem3A, %ne3A_14 : i32
    %and3A = arith.andi %ne3A, %ne3A_15 : i1
    %sub3A = arith.constant 1 : i32
    %sub3A_16 = arith.subi %div3A, %sub3A : i32
    %select_n3A = arith.select %and3A, %sub3A_16, %div3A : i32
    %mul3A_17 = arith.constant 8 : i32
    %mul3A_18 = arith.muli %select_n3A, %mul3A_17 : i32
    %multiple_of3A = tpu.assume_multiple %mul3A_18, 8 : i32
    %jit3A_19 = arith.constant 4 : i32
    %eq3A = arith.constant 0 : i32
    %eq3A_20 = arith.cmpi eq, %jit3A_19, %eq3A : i32
    %jit3A_21 = arith.constant 1 : i32
    %select_n3A_22 = arith.select %eq3A_20, %jit3A_21, %jit3A_19 : i32
    %rem3A_23 = arith.remsi %add3A, %select_n3A_22 : i32
    %ne3A_24 = arith.constant 0 : i32
    %ne3A_25 = arith.cmpi ne, %rem3A_23, %ne3A_24 : i32
    %lt3A = arith.constant 0 : i32
    %lt3A_26 = arith.cmpi slt, %rem3A_23, %lt3A : i32
    %lt3A_27 = arith.constant 0 : i32
    %lt3A_28 = arith.cmpi slt, %select_n3A_22, %lt3A_27 : i32
    %ne3A_29 = arith.xori %lt3A_26, %lt3A_28 : i1
    %and3A_30 = arith.andi %ne3A_29, %ne3A_25 : i1
    %add3A_31 = arith.addi %rem3A_23, %select_n3A_22 : i32
    %select_n3A_32 = arith.select %and3A_30, %add3A_31, %rem3A_23 : i32
    %mul3A_33 = arith.constant 10 : i32
    %mul3A_34 = arith.muli %select_n3A_32, %mul3A_33 : i32
    %add3A_35 = arith.constant 0 : i32
    %add3A_36 = arith.addi %mul3A_34, %add3A_35 : i32
    %lt3A_37 = arith.constant 39 : i32
    %lt3A_38 = arith.cmpi slt, %add3A_36, %lt3A_37 : i32
    %convert_element_type3A = arith.extui %lt3A_38 : i1 to i32
    %cond3A = arith.constant 0 : i32
    %cond3A_39 = arith.cmpi ne, %convert_element_type3A, %cond3A : i32
    scf.if %cond3A_39 {
      %mul3A_265 = arith.constant 12800 : i32
      %mul3A_266 = arith.muli %add3A_36, %mul3A_265 : i32
      %multiple_of3A_267 = tpu.assume_multiple %mul3A_266, 128 : i32
      "tpu.region"() ({
        %run_scoped3A = tpu.sem_alloc : memref<!tpu.dma_semaphore, #tpu.memory_space<semaphore_mem>>
        %dma_start3A = tpu.memref_slice %arg2[%multiple_of3A, %multiple_of3A_267] : memref<64x500000xf32, #tpu.memory_space<hbm>> -> memref<8x12800xf32, #tpu.memory_space<hbm>>
        %dma_start3A_268 = tpu.memref_slice %arg2[%multiple_of3A, %multiple_of3A_267] : memref<64x500000xf32, #tpu.memory_space<hbm>> -> memref<8x12800xf32, #tpu.memory_space<hbm>>
        tpu.enqueue_dma source(%dma_start3A_268 : memref<8x12800xf32, #tpu.memory_space<hbm>>) target(%arg4 : memref<8x12800xf32, #tpu.memory_space<vmem>>) target_semaphore(%run_scoped3A : memref<!tpu.dma_semaphore, #tpu.memory_space<semaphore_mem>>)
        %dma_wait3A = tpu.memref_slice %arg2[%multiple_of3A, %multiple_of3A_267] : memref<64x500000xf32, #tpu.memory_space<hbm>> -> memref<8x12800xf32, #tpu.memory_space<hbm>>
        %dma_wait3A_269 = tpu.memref_slice %arg2[%multiple_of3A, %multiple_of3A_267] : memref<64x500000xf32, #tpu.memory_space<hbm>> -> memref<8x12800xf32, #tpu.memory_space<hbm>>
        tpu.wait_dma2 semaphore(%run_scoped3A : memref<!tpu.dma_semaphore, #tpu.memory_space<semaphore_mem>>) src(%dma_wait3A_269 : memref<8x12800xf32, #tpu.memory_space<hbm>>) dst(%arg4 : memref<8x12800xf32, #tpu.memory_space<vmem>>)
        tpu.yield
      }) : () -> ()
      "tpu.region"() ({
        %run_scoped3A = tpu.sem_alloc : memref<!tpu.dma_semaphore, #tpu.memory_space<semaphore_mem>>
        %dma_start3A = tpu.memref_slice %arg3[%multiple_of3A, %multiple_of3A_267] : memref<64x500000xf32, #tpu.memory_space<hbm>> -> memref<8x12800xf32, #tpu.memory_space<hbm>>
        %dma_start3A_268 = tpu.memref_slice %arg3[%multiple_of3A, %multiple_of3A_267] : memref<64x500000xf32, #tpu.memory_space<hbm>> -> memref<8x12800xf32, #tpu.memory_space<hbm>>
        tpu.enqueue_dma source(%arg4 : memref<8x12800xf32, #tpu.memory_space<vmem>>) target(%dma_start3A_268 : memref<8x12800xf32, #tpu.memory_space<hbm>>) target_semaphore(%run_scoped3A : memref<!tpu.dma_semaphore, #tpu.memory_space<semaphore_mem>>)
        %dma_wait3A = tpu.memref_slice %arg3[%multiple_of3A, %multiple_of3A_267] : memref<64x500000xf32, #tpu.memory_space<hbm>> -> memref<8x12800xf32, #tpu.memory_space<hbm>>
        %dma_wait3A_269 = tpu.memref_slice %arg3[%multiple_of3A, %multiple_of3A_267] : memref<64x500000xf32, #tpu.memory_space<hbm>> -> memref<8x12800xf32, #tpu.memory_space<hbm>>
        tpu.wait_dma2 semaphore(%run_scoped3A : memref<!tpu.dma_semaphore, #tpu.memory_space<semaphore_mem>>) src(%arg4 : memref<8x12800xf32, #tpu.memory_space<vmem>>) dst(%dma_wait3A_269 : memref<8x12800xf32, #tpu.memory_space<hbm>>)
        tpu.yield
      }) : () -> ()
    } else {
    }
    %jit3A_40 = arith.constant 4 : i32
    %eq3A_41 = arith.constant 0 : i32
    %eq3A_42 = arith.cmpi eq, %jit3A_40, %eq3A_41 : i32
    %jit3A_43 = arith.constant 1 : i32
    %select_n3A_44 = arith.select %eq3A_42, %jit3A_43, %jit3A_40 : i32
    %rem3A_45 = arith.remsi %add3A, %select_n3A_44 : i32
    %ne3A_46 = arith.constant 0 : i32
    %ne3A_47 = arith.cmpi ne, %rem3A_45, %ne3A_46 : i32
    %lt3A_48 = arith.constant 0 : i32
    %lt3A_49 = arith.cmpi slt, %rem3A_45, %lt3A_48 : i32
    %lt3A_50 = arith.constant 0 : i32
    %lt3A_51 = arith.cmpi slt, %select_n3A_44, %lt3A_50 : i32
    %ne3A_52 = arith.xori %lt3A_49, %lt3A_51 : i1
    %and3A_53 = arith.andi %ne3A_52, %ne3A_47 : i1
    %add3A_54 = arith.addi %rem3A_45, %select_n3A_44 : i32
    %select_n3A_55 = arith.select %and3A_53, %add3A_54, %rem3A_45 : i32
    %mul3A_56 = arith.constant 10 : i32
    %mul3A_57 = arith.muli %select_n3A_55, %mul3A_56 : i32
    %add3A_58 = arith.constant 1 : i32
    %add3A_59 = arith.addi %mul3A_57, %add3A_58 : i32
    %lt3A_60 = arith.constant 39 : i32
    %lt3A_61 = arith.cmpi slt, %add3A_59, %lt3A_60 : i32
    %convert_element_type3A_62 = arith.extui %lt3A_61 : i1 to i32
    %cond3A_63 = arith.constant 0 : i32
    %cond3A_64 = arith.cmpi ne, %convert_element_type3A_62, %cond3A_63 : i32
    scf.if %cond3A_64 {
      %mul3A_265 = arith.constant 12800 : i32
      %mul3A_266 = arith.muli %add3A_59, %mul3A_265 : i32
      %multiple_of3A_267 = tpu.assume_multiple %mul3A_266, 128 : i32
      "tpu.region"() ({
        %run_scoped3A = tpu.sem_alloc : memref<!tpu.dma_semaphore, #tpu.memory_space<semaphore_mem>>
        %dma_start3A = tpu.memref_slice %arg2[%multiple_of3A, %multiple_of3A_267] : memref<64x500000xf32, #tpu.memory_space<hbm>> -> memref<8x12800xf32, #tpu.memory_space<hbm>>
        %dma_start3A_268 = tpu.memref_slice %arg2[%multiple_of3A, %multiple_of3A_267] : memref<64x500000xf32, #tpu.memory_space<hbm>> -> memref<8x12800xf32, #tpu.memory_space<hbm>>
        tpu.enqueue_dma source(%dma_start3A_268 : memref<8x12800xf32, #tpu.memory_space<hbm>>) target(%arg4 : memref<8x12800xf32, #tpu.memory_space<vmem>>) target_semaphore(%run_scoped3A : memref<!tpu.dma_semaphore, #tpu.memory_space<semaphore_mem>>)
        %dma_wait3A = tpu.memref_slice %arg2[%multiple_of3A, %multiple_of3A_267] : memref<64x500000xf32, #tpu.memory_space<hbm>> -> memref<8x12800xf32, #tpu.memory_space<hbm>>
        %dma_wait3A_269 = tpu.memref_slice %arg2[%multiple_of3A, %multiple_of3A_267] : memref<64x500000xf32, #tpu.memory_space<hbm>> -> memref<8x12800xf32, #tpu.memory_space<hbm>>
        tpu.wait_dma2 semaphore(%run_scoped3A : memref<!tpu.dma_semaphore, #tpu.memory_space<semaphore_mem>>) src(%dma_wait3A_269 : memref<8x12800xf32, #tpu.memory_space<hbm>>) dst(%arg4 : memref<8x12800xf32, #tpu.memory_space<vmem>>)
        tpu.yield
      }) : () -> ()
      "tpu.region"() ({
        %run_scoped3A = tpu.sem_alloc : memref<!tpu.dma_semaphore, #tpu.memory_space<semaphore_mem>>
        %dma_start3A = tpu.memref_slice %arg3[%multiple_of3A, %multiple_of3A_267] : memref<64x500000xf32, #tpu.memory_space<hbm>> -> memref<8x12800xf32, #tpu.memory_space<hbm>>
        %dma_start3A_268 = tpu.memref_slice %arg3[%multiple_of3A, %multiple_of3A_267] : memref<64x500000xf32, #tpu.memory_space<hbm>> -> memref<8x12800xf32, #tpu.memory_space<hbm>>
        tpu.enqueue_dma source(%arg4 : memref<8x12800xf32, #tpu.memory_space<vmem>>) target(%dma_start3A_268 : memref<8x12800xf32, #tpu.memory_space<hbm>>) target_semaphore(%run_scoped3A : memref<!tpu.dma_semaphore, #tpu.memory_space<semaphore_mem>>)
        %dma_wait3A = tpu.memref_slice %arg3[%multiple_of3A, %multiple_of3A_267] : memref<64x500000xf32, #tpu.memory_space<hbm>> -> memref<8x12800xf32, #tpu.memory_space<hbm>>
        %dma_wait3A_269 = tpu.memref_slice %arg3[%multiple_of3A, %multiple_of3A_267] : memref<64x500000xf32, #tpu.memory_space<hbm>> -> memref<8x12800xf32, #tpu.memory_space<hbm>>
        tpu.wait_dma2 semaphore(%run_scoped3A : memref<!tpu.dma_semaphore, #tpu.memory_space<semaphore_mem>>) src(%arg4 : memref<8x12800xf32, #tpu.memory_space<vmem>>) dst(%dma_wait3A_269 : memref<8x12800xf32, #tpu.memory_space<hbm>>)
        tpu.yield
      }) : () -> ()
    } else {
    }
    %jit3A_65 = arith.constant 4 : i32
    %eq3A_66 = arith.constant 0 : i32
    %eq3A_67 = arith.cmpi eq, %jit3A_65, %eq3A_66 : i32
    %jit3A_68 = arith.constant 1 : i32
    %select_n3A_69 = arith.select %eq3A_67, %jit3A_68, %jit3A_65 : i32
    %rem3A_70 = arith.remsi %add3A, %select_n3A_69 : i32
    %ne3A_71 = arith.constant 0 : i32
    %ne3A_72 = arith.cmpi ne, %rem3A_70, %ne3A_71 : i32
    %lt3A_73 = arith.constant 0 : i32
    %lt3A_74 = arith.cmpi slt, %rem3A_70, %lt3A_73 : i32
    %lt3A_75 = arith.constant 0 : i32
    %lt3A_76 = arith.cmpi slt, %select_n3A_69, %lt3A_75 : i32
    %ne3A_77 = arith.xori %lt3A_74, %lt3A_76 : i1
    %and3A_78 = arith.andi %ne3A_77, %ne3A_72 : i1
    %add3A_79 = arith.addi %rem3A_70, %select_n3A_69 : i32
    %select_n3A_80 = arith.select %and3A_78, %add3A_79, %rem3A_70 : i32
    %mul3A_81 = arith.constant 10 : i32
    %mul3A_82 = arith.muli %select_n3A_80, %mul3A_81 : i32
    %add3A_83 = arith.constant 2 : i32
    %add3A_84 = arith.addi %mul3A_82, %add3A_83 : i32
    %lt3A_85 = arith.constant 39 : i32
    %lt3A_86 = arith.cmpi slt, %add3A_84, %lt3A_85 : i32
    %convert_element_type3A_87 = arith.extui %lt3A_86 : i1 to i32
    %cond3A_88 = arith.constant 0 : i32
    %cond3A_89 = arith.cmpi ne, %convert_element_type3A_87, %cond3A_88 : i32
    scf.if %cond3A_89 {
      %mul3A_265 = arith.constant 12800 : i32
      %mul3A_266 = arith.muli %add3A_84, %mul3A_265 : i32
      %multiple_of3A_267 = tpu.assume_multiple %mul3A_266, 128 : i32
      "tpu.region"() ({
        %run_scoped3A = tpu.sem_alloc : memref<!tpu.dma_semaphore, #tpu.memory_space<semaphore_mem>>
        %dma_start3A = tpu.memref_slice %arg2[%multiple_of3A, %multiple_of3A_267] : memref<64x500000xf32, #tpu.memory_space<hbm>> -> memref<8x12800xf32, #tpu.memory_space<hbm>>
        %dma_start3A_268 = tpu.memref_slice %arg2[%multiple_of3A, %multiple_of3A_267] : memref<64x500000xf32, #tpu.memory_space<hbm>> -> memref<8x12800xf32, #tpu.memory_space<hbm>>
        tpu.enqueue_dma source(%dma_start3A_268 : memref<8x12800xf32, #tpu.memory_space<hbm>>) target(%arg4 : memref<8x12800xf32, #tpu.memory_space<vmem>>) target_semaphore(%run_scoped3A : memref<!tpu.dma_semaphore, #tpu.memory_space<semaphore_mem>>)
        %dma_wait3A = tpu.memref_slice %arg2[%multiple_of3A, %multiple_of3A_267] : memref<64x500000xf32, #tpu.memory_space<hbm>> -> memref<8x12800xf32, #tpu.memory_space<hbm>>
        %dma_wait3A_269 = tpu.memref_slice %arg2[%multiple_of3A, %multiple_of3A_267] : memref<64x500000xf32, #tpu.memory_space<hbm>> -> memref<8x12800xf32, #tpu.memory_space<hbm>>
        tpu.wait_dma2 semaphore(%run_scoped3A : memref<!tpu.dma_semaphore, #tpu.memory_space<semaphore_mem>>) src(%dma_wait3A_269 : memref<8x12800xf32, #tpu.memory_space<hbm>>) dst(%arg4 : memref<8x12800xf32, #tpu.memory_space<vmem>>)
        tpu.yield
      }) : () -> ()
      "tpu.region"() ({
        %run_scoped3A = tpu.sem_alloc : memref<!tpu.dma_semaphore, #tpu.memory_space<semaphore_mem>>
        %dma_start3A = tpu.memref_slice %arg3[%multiple_of3A, %multiple_of3A_267] : memref<64x500000xf32, #tpu.memory_space<hbm>> -> memref<8x12800xf32, #tpu.memory_space<hbm>>
        %dma_start3A_268 = tpu.memref_slice %arg3[%multiple_of3A, %multiple_of3A_267] : memref<64x500000xf32, #tpu.memory_space<hbm>> -> memref<8x12800xf32, #tpu.memory_space<hbm>>
        tpu.enqueue_dma source(%arg4 : memref<8x12800xf32, #tpu.memory_space<vmem>>) target(%dma_start3A_268 : memref<8x12800xf32, #tpu.memory_space<hbm>>) target_semaphore(%run_scoped3A : memref<!tpu.dma_semaphore, #tpu.memory_space<semaphore_mem>>)
        %dma_wait3A = tpu.memref_slice %arg3[%multiple_of3A, %multiple_of3A_267] : memref<64x500000xf32, #tpu.memory_space<hbm>> -> memref<8x12800xf32, #tpu.memory_space<hbm>>
        %dma_wait3A_269 = tpu.memref_slice %arg3[%multiple_of3A, %multiple_of3A_267] : memref<64x500000xf32, #tpu.memory_space<hbm>> -> memref<8x12800xf32, #tpu.memory_space<hbm>>
        tpu.wait_dma2 semaphore(%run_scoped3A : memref<!tpu.dma_semaphore, #tpu.memory_space<semaphore_mem>>) src(%arg4 : memref<8x12800xf32, #tpu.memory_space<vmem>>) dst(%dma_wait3A_269 : memref<8x12800xf32, #tpu.memory_space<hbm>>)
        tpu.yield
      }) : () -> ()
    } else {
    }
    %jit3A_90 = arith.constant 4 : i32
    %eq3A_91 = arith.constant 0 : i32
    %eq3A_92 = arith.cmpi eq, %jit3A_90, %eq3A_91 : i32
    %jit3A_93 = arith.constant 1 : i32
    %select_n3A_94 = arith.select %eq3A_92, %jit3A_93, %jit3A_90 : i32
    %rem3A_95 = arith.remsi %add3A, %select_n3A_94 : i32
    %ne3A_96 = arith.constant 0 : i32
    %ne3A_97 = arith.cmpi ne, %rem3A_95, %ne3A_96 : i32
    %lt3A_98 = arith.constant 0 : i32
    %lt3A_99 = arith.cmpi slt, %rem3A_95, %lt3A_98 : i32
    %lt3A_100 = arith.constant 0 : i32
    %lt3A_101 = arith.cmpi slt, %select_n3A_94, %lt3A_100 : i32
    %ne3A_102 = arith.xori %lt3A_99, %lt3A_101 : i1
    %and3A_103 = arith.andi %ne3A_102, %ne3A_97 : i1
    %add3A_104 = arith.addi %rem3A_95, %select_n3A_94 : i32
    %select_n3A_105 = arith.select %and3A_103, %add3A_104, %rem3A_95 : i32
    %mul3A_106 = arith.constant 10 : i32
    %mul3A_107 = arith.muli %select_n3A_105, %mul3A_106 : i32
    %add3A_108 = arith.constant 3 : i32
    %add3A_109 = arith.addi %mul3A_107, %add3A_108 : i32
    %lt3A_110 = arith.constant 39 : i32
    %lt3A_111 = arith.cmpi slt, %add3A_109, %lt3A_110 : i32
    %convert_element_type3A_112 = arith.extui %lt3A_111 : i1 to i32
    %cond3A_113 = arith.constant 0 : i32
    %cond3A_114 = arith.cmpi ne, %convert_element_type3A_112, %cond3A_113 : i32
    scf.if %cond3A_114 {
      %mul3A_265 = arith.constant 12800 : i32
      %mul3A_266 = arith.muli %add3A_109, %mul3A_265 : i32
      %multiple_of3A_267 = tpu.assume_multiple %mul3A_266, 128 : i32
      "tpu.region"() ({
        %run_scoped3A = tpu.sem_alloc : memref<!tpu.dma_semaphore, #tpu.memory_space<semaphore_mem>>
        %dma_start3A = tpu.memref_slice %arg2[%multiple_of3A, %multiple_of3A_267] : memref<64x500000xf32, #tpu.memory_space<hbm>> -> memref<8x12800xf32, #tpu.memory_space<hbm>>
        %dma_start3A_268 = tpu.memref_slice %arg2[%multiple_of3A, %multiple_of3A_267] : memref<64x500000xf32, #tpu.memory_space<hbm>> -> memref<8x12800xf32, #tpu.memory_space<hbm>>
        tpu.enqueue_dma source(%dma_start3A_268 : memref<8x12800xf32, #tpu.memory_space<hbm>>) target(%arg4 : memref<8x12800xf32, #tpu.memory_space<vmem>>) target_semaphore(%run_scoped3A : memref<!tpu.dma_semaphore, #tpu.memory_space<semaphore_mem>>)
        %dma_wait3A = tpu.memref_slice %arg2[%multiple_of3A, %multiple_of3A_267] : memref<64x500000xf32, #tpu.memory_space<hbm>> -> memref<8x12800xf32, #tpu.memory_space<hbm>>
        %dma_wait3A_269 = tpu.memref_slice %arg2[%multiple_of3A, %multiple_of3A_267] : memref<64x500000xf32, #tpu.memory_space<hbm>> -> memref<8x12800xf32, #tpu.memory_space<hbm>>
        tpu.wait_dma2 semaphore(%run_scoped3A : memref<!tpu.dma_semaphore, #tpu.memory_space<semaphore_mem>>) src(%dma_wait3A_269 : memref<8x12800xf32, #tpu.memory_space<hbm>>) dst(%arg4 : memref<8x12800xf32, #tpu.memory_space<vmem>>)
        tpu.yield
      }) : () -> ()
      "tpu.region"() ({
        %run_scoped3A = tpu.sem_alloc : memref<!tpu.dma_semaphore, #tpu.memory_space<semaphore_mem>>
        %dma_start3A = tpu.memref_slice %arg3[%multiple_of3A, %multiple_of3A_267] : memref<64x500000xf32, #tpu.memory_space<hbm>> -> memref<8x12800xf32, #tpu.memory_space<hbm>>
        %dma_start3A_268 = tpu.memref_slice %arg3[%multiple_of3A, %multiple_of3A_267] : memref<64x500000xf32, #tpu.memory_space<hbm>> -> memref<8x12800xf32, #tpu.memory_space<hbm>>
        tpu.enqueue_dma source(%arg4 : memref<8x12800xf32, #tpu.memory_space<vmem>>) target(%dma_start3A_268 : memref<8x12800xf32, #tpu.memory_space<hbm>>) target_semaphore(%run_scoped3A : memref<!tpu.dma_semaphore, #tpu.memory_space<semaphore_mem>>)
        %dma_wait3A = tpu.memref_slice %arg3[%multiple_of3A, %multiple_of3A_267] : memref<64x500000xf32, #tpu.memory_space<hbm>> -> memref<8x12800xf32, #tpu.memory_space<hbm>>
        %dma_wait3A_269 = tpu.memref_slice %arg3[%multiple_of3A, %multiple_of3A_267] : memref<64x500000xf32, #tpu.memory_space<hbm>> -> memref<8x12800xf32, #tpu.memory_space<hbm>>
        tpu.wait_dma2 semaphore(%run_scoped3A : memref<!tpu.dma_semaphore, #tpu.memory_space<semaphore_mem>>) src(%arg4 : memref<8x12800xf32, #tpu.memory_space<vmem>>) dst(%dma_wait3A_269 : memref<8x12800xf32, #tpu.memory_space<hbm>>)
        tpu.yield
      }) : () -> ()
    } else {
    }
    %jit3A_115 = arith.constant 4 : i32
    %eq3A_116 = arith.constant 0 : i32
    %eq3A_117 = arith.cmpi eq, %jit3A_115, %eq3A_116 : i32
    %jit3A_118 = arith.constant 1 : i32
    %select_n3A_119 = arith.select %eq3A_117, %jit3A_118, %jit3A_115 : i32
    %rem3A_120 = arith.remsi %add3A, %select_n3A_119 : i32
    %ne3A_121 = arith.constant 0 : i32
    %ne3A_122 = arith.cmpi ne, %rem3A_120, %ne3A_121 : i32
    %lt3A_123 = arith.constant 0 : i32
    %lt3A_124 = arith.cmpi slt, %rem3A_120, %lt3A_123 : i32
    %lt3A_125 = arith.constant 0 : i32
    %lt3A_126 = arith.cmpi slt, %select_n3A_119, %lt3A_125 : i32
    %ne3A_127 = arith.xori %lt3A_124, %lt3A_126 : i1
    %and3A_128 = arith.andi %ne3A_127, %ne3A_122 : i1
    %add3A_129 = arith.addi %rem3A_120, %select_n3A_119 : i32
    %select_n3A_130 = arith.select %and3A_128, %add3A_129, %rem3A_120 : i32
    %mul3A_131 = arith.constant 10 : i32
    %mul3A_132 = arith.muli %select_n3A_130, %mul3A_131 : i32
    %add3A_133 = arith.constant 4 : i32
    %add3A_134 = arith.addi %mul3A_132, %add3A_133 : i32
    %lt3A_135 = arith.constant 39 : i32
    %lt3A_136 = arith.cmpi slt, %add3A_134, %lt3A_135 : i32
    %convert_element_type3A_137 = arith.extui %lt3A_136 : i1 to i32
    %cond3A_138 = arith.constant 0 : i32
    %cond3A_139 = arith.cmpi ne, %convert_element_type3A_137, %cond3A_138 : i32
    scf.if %cond3A_139 {
      %mul3A_265 = arith.constant 12800 : i32
      %mul3A_266 = arith.muli %add3A_134, %mul3A_265 : i32
      %multiple_of3A_267 = tpu.assume_multiple %mul3A_266, 128 : i32
      "tpu.region"() ({
        %run_scoped3A = tpu.sem_alloc : memref<!tpu.dma_semaphore, #tpu.memory_space<semaphore_mem>>
        %dma_start3A = tpu.memref_slice %arg2[%multiple_of3A, %multiple_of3A_267] : memref<64x500000xf32, #tpu.memory_space<hbm>> -> memref<8x12800xf32, #tpu.memory_space<hbm>>
        %dma_start3A_268 = tpu.memref_slice %arg2[%multiple_of3A, %multiple_of3A_267] : memref<64x500000xf32, #tpu.memory_space<hbm>> -> memref<8x12800xf32, #tpu.memory_space<hbm>>
        tpu.enqueue_dma source(%dma_start3A_268 : memref<8x12800xf32, #tpu.memory_space<hbm>>) target(%arg4 : memref<8x12800xf32, #tpu.memory_space<vmem>>) target_semaphore(%run_scoped3A : memref<!tpu.dma_semaphore, #tpu.memory_space<semaphore_mem>>)
        %dma_wait3A = tpu.memref_slice %arg2[%multiple_of3A, %multiple_of3A_267] : memref<64x500000xf32, #tpu.memory_space<hbm>> -> memref<8x12800xf32, #tpu.memory_space<hbm>>
        %dma_wait3A_269 = tpu.memref_slice %arg2[%multiple_of3A, %multiple_of3A_267] : memref<64x500000xf32, #tpu.memory_space<hbm>> -> memref<8x12800xf32, #tpu.memory_space<hbm>>
        tpu.wait_dma2 semaphore(%run_scoped3A : memref<!tpu.dma_semaphore, #tpu.memory_space<semaphore_mem>>) src(%dma_wait3A_269 : memref<8x12800xf32, #tpu.memory_space<hbm>>) dst(%arg4 : memref<8x12800xf32, #tpu.memory_space<vmem>>)
        tpu.yield
      }) : () -> ()
      "tpu.region"() ({
        %run_scoped3A = tpu.sem_alloc : memref<!tpu.dma_semaphore, #tpu.memory_space<semaphore_mem>>
        %dma_start3A = tpu.memref_slice %arg3[%multiple_of3A, %multiple_of3A_267] : memref<64x500000xf32, #tpu.memory_space<hbm>> -> memref<8x12800xf32, #tpu.memory_space<hbm>>
        %dma_start3A_268 = tpu.memref_slice %arg3[%multiple_of3A, %multiple_of3A_267] : memref<64x500000xf32, #tpu.memory_space<hbm>> -> memref<8x12800xf32, #tpu.memory_space<hbm>>
        tpu.enqueue_dma source(%arg4 : memref<8x12800xf32, #tpu.memory_space<vmem>>) target(%dma_start3A_268 : memref<8x12800xf32, #tpu.memory_space<hbm>>) target_semaphore(%run_scoped3A : memref<!tpu.dma_semaphore, #tpu.memory_space<semaphore_mem>>)
        %dma_wait3A = tpu.memref_slice %arg3[%multiple_of3A, %multiple_of3A_267] : memref<64x500000xf32, #tpu.memory_space<hbm>> -> memref<8x12800xf32, #tpu.memory_space<hbm>>
        %dma_wait3A_269 = tpu.memref_slice %arg3[%multiple_of3A, %multiple_of3A_267] : memref<64x500000xf32, #tpu.memory_space<hbm>> -> memref<8x12800xf32, #tpu.memory_space<hbm>>
        tpu.wait_dma2 semaphore(%run_scoped3A : memref<!tpu.dma_semaphore, #tpu.memory_space<semaphore_mem>>) src(%arg4 : memref<8x12800xf32, #tpu.memory_space<vmem>>) dst(%dma_wait3A_269 : memref<8x12800xf32, #tpu.memory_space<hbm>>)
        tpu.yield
      }) : () -> ()
    } else {
    }
    %jit3A_140 = arith.constant 4 : i32
    %eq3A_141 = arith.constant 0 : i32
    %eq3A_142 = arith.cmpi eq, %jit3A_140, %eq3A_141 : i32
    %jit3A_143 = arith.constant 1 : i32
    %select_n3A_144 = arith.select %eq3A_142, %jit3A_143, %jit3A_140 : i32
    %rem3A_145 = arith.remsi %add3A, %select_n3A_144 : i32
    %ne3A_146 = arith.constant 0 : i32
    %ne3A_147 = arith.cmpi ne, %rem3A_145, %ne3A_146 : i32
    %lt3A_148 = arith.constant 0 : i32
    %lt3A_149 = arith.cmpi slt, %rem3A_145, %lt3A_148 : i32
    %lt3A_150 = arith.constant 0 : i32
    %lt3A_151 = arith.cmpi slt, %select_n3A_144, %lt3A_150 : i32
    %ne3A_152 = arith.xori %lt3A_149, %lt3A_151 : i1
    %and3A_153 = arith.andi %ne3A_152, %ne3A_147 : i1
    %add3A_154 = arith.addi %rem3A_145, %select_n3A_144 : i32
    %select_n3A_155 = arith.select %and3A_153, %add3A_154, %rem3A_145 : i32
    %mul3A_156 = arith.constant 10 : i32
    %mul3A_157 = arith.muli %select_n3A_155, %mul3A_156 : i32
    %add3A_158 = arith.constant 5 : i32
    %add3A_159 = arith.addi %mul3A_157, %add3A_158 : i32
    %lt3A_160 = arith.constant 39 : i32
    %lt3A_161 = arith.cmpi slt, %add3A_159, %lt3A_160 : i32
    %convert_element_type3A_162 = arith.extui %lt3A_161 : i1 to i32
    %cond3A_163 = arith.constant 0 : i32
    %cond3A_164 = arith.cmpi ne, %convert_element_type3A_162, %cond3A_163 : i32
    scf.if %cond3A_164 {
      %mul3A_265 = arith.constant 12800 : i32
      %mul3A_266 = arith.muli %add3A_159, %mul3A_265 : i32
      %multiple_of3A_267 = tpu.assume_multiple %mul3A_266, 128 : i32
      "tpu.region"() ({
        %run_scoped3A = tpu.sem_alloc : memref<!tpu.dma_semaphore, #tpu.memory_space<semaphore_mem>>
        %dma_start3A = tpu.memref_slice %arg2[%multiple_of3A, %multiple_of3A_267] : memref<64x500000xf32, #tpu.memory_space<hbm>> -> memref<8x12800xf32, #tpu.memory_space<hbm>>
        %dma_start3A_268 = tpu.memref_slice %arg2[%multiple_of3A, %multiple_of3A_267] : memref<64x500000xf32, #tpu.memory_space<hbm>> -> memref<8x12800xf32, #tpu.memory_space<hbm>>
        tpu.enqueue_dma source(%dma_start3A_268 : memref<8x12800xf32, #tpu.memory_space<hbm>>) target(%arg4 : memref<8x12800xf32, #tpu.memory_space<vmem>>) target_semaphore(%run_scoped3A : memref<!tpu.dma_semaphore, #tpu.memory_space<semaphore_mem>>)
        %dma_wait3A = tpu.memref_slice %arg2[%multiple_of3A, %multiple_of3A_267] : memref<64x500000xf32, #tpu.memory_space<hbm>> -> memref<8x12800xf32, #tpu.memory_space<hbm>>
        %dma_wait3A_269 = tpu.memref_slice %arg2[%multiple_of3A, %multiple_of3A_267] : memref<64x500000xf32, #tpu.memory_space<hbm>> -> memref<8x12800xf32, #tpu.memory_space<hbm>>
        tpu.wait_dma2 semaphore(%run_scoped3A : memref<!tpu.dma_semaphore, #tpu.memory_space<semaphore_mem>>) src(%dma_wait3A_269 : memref<8x12800xf32, #tpu.memory_space<hbm>>) dst(%arg4 : memref<8x12800xf32, #tpu.memory_space<vmem>>)
        tpu.yield
      }) : () -> ()
      "tpu.region"() ({
        %run_scoped3A = tpu.sem_alloc : memref<!tpu.dma_semaphore, #tpu.memory_space<semaphore_mem>>
        %dma_start3A = tpu.memref_slice %arg3[%multiple_of3A, %multiple_of3A_267] : memref<64x500000xf32, #tpu.memory_space<hbm>> -> memref<8x12800xf32, #tpu.memory_space<hbm>>
        %dma_start3A_268 = tpu.memref_slice %arg3[%multiple_of3A, %multiple_of3A_267] : memref<64x500000xf32, #tpu.memory_space<hbm>> -> memref<8x12800xf32, #tpu.memory_space<hbm>>
        tpu.enqueue_dma source(%arg4 : memref<8x12800xf32, #tpu.memory_space<vmem>>) target(%dma_start3A_268 : memref<8x12800xf32, #tpu.memory_space<hbm>>) target_semaphore(%run_scoped3A : memref<!tpu.dma_semaphore, #tpu.memory_space<semaphore_mem>>)
        %dma_wait3A = tpu.memref_slice %arg3[%multiple_of3A, %multiple_of3A_267] : memref<64x500000xf32, #tpu.memory_space<hbm>> -> memref<8x12800xf32, #tpu.memory_space<hbm>>
        %dma_wait3A_269 = tpu.memref_slice %arg3[%multiple_of3A, %multiple_of3A_267] : memref<64x500000xf32, #tpu.memory_space<hbm>> -> memref<8x12800xf32, #tpu.memory_space<hbm>>
        tpu.wait_dma2 semaphore(%run_scoped3A : memref<!tpu.dma_semaphore, #tpu.memory_space<semaphore_mem>>) src(%arg4 : memref<8x12800xf32, #tpu.memory_space<vmem>>) dst(%dma_wait3A_269 : memref<8x12800xf32, #tpu.memory_space<hbm>>)
        tpu.yield
      }) : () -> ()
    } else {
    }
    %jit3A_165 = arith.constant 4 : i32
    %eq3A_166 = arith.constant 0 : i32
    %eq3A_167 = arith.cmpi eq, %jit3A_165, %eq3A_166 : i32
    %jit3A_168 = arith.constant 1 : i32
    %select_n3A_169 = arith.select %eq3A_167, %jit3A_168, %jit3A_165 : i32
    %rem3A_170 = arith.remsi %add3A, %select_n3A_169 : i32
    %ne3A_171 = arith.constant 0 : i32
    %ne3A_172 = arith.cmpi ne, %rem3A_170, %ne3A_171 : i32
    %lt3A_173 = arith.constant 0 : i32
    %lt3A_174 = arith.cmpi slt, %rem3A_170, %lt3A_173 : i32
    %lt3A_175 = arith.constant 0 : i32
    %lt3A_176 = arith.cmpi slt, %select_n3A_169, %lt3A_175 : i32
    %ne3A_177 = arith.xori %lt3A_174, %lt3A_176 : i1
    %and3A_178 = arith.andi %ne3A_177, %ne3A_172 : i1
    %add3A_179 = arith.addi %rem3A_170, %select_n3A_169 : i32
    %select_n3A_180 = arith.select %and3A_178, %add3A_179, %rem3A_170 : i32
    %mul3A_181 = arith.constant 10 : i32
    %mul3A_182 = arith.muli %select_n3A_180, %mul3A_181 : i32
    %add3A_183 = arith.constant 6 : i32
    %add3A_184 = arith.addi %mul3A_182, %add3A_183 : i32
    %lt3A_185 = arith.constant 39 : i32
    %lt3A_186 = arith.cmpi slt, %add3A_184, %lt3A_185 : i32
    %convert_element_type3A_187 = arith.extui %lt3A_186 : i1 to i32
    %cond3A_188 = arith.constant 0 : i32
    %cond3A_189 = arith.cmpi ne, %convert_element_type3A_187, %cond3A_188 : i32
    scf.if %cond3A_189 {
      %mul3A_265 = arith.constant 12800 : i32
      %mul3A_266 = arith.muli %add3A_184, %mul3A_265 : i32
      %multiple_of3A_267 = tpu.assume_multiple %mul3A_266, 128 : i32
      "tpu.region"() ({
        %run_scoped3A = tpu.sem_alloc : memref<!tpu.dma_semaphore, #tpu.memory_space<semaphore_mem>>
        %dma_start3A = tpu.memref_slice %arg2[%multiple_of3A, %multiple_of3A_267] : memref<64x500000xf32, #tpu.memory_space<hbm>> -> memref<8x12800xf32, #tpu.memory_space<hbm>>
        %dma_start3A_268 = tpu.memref_slice %arg2[%multiple_of3A, %multiple_of3A_267] : memref<64x500000xf32, #tpu.memory_space<hbm>> -> memref<8x12800xf32, #tpu.memory_space<hbm>>
        tpu.enqueue_dma source(%dma_start3A_268 : memref<8x12800xf32, #tpu.memory_space<hbm>>) target(%arg4 : memref<8x12800xf32, #tpu.memory_space<vmem>>) target_semaphore(%run_scoped3A : memref<!tpu.dma_semaphore, #tpu.memory_space<semaphore_mem>>)
        %dma_wait3A = tpu.memref_slice %arg2[%multiple_of3A, %multiple_of3A_267] : memref<64x500000xf32, #tpu.memory_space<hbm>> -> memref<8x12800xf32, #tpu.memory_space<hbm>>
        %dma_wait3A_269 = tpu.memref_slice %arg2[%multiple_of3A, %multiple_of3A_267] : memref<64x500000xf32, #tpu.memory_space<hbm>> -> memref<8x12800xf32, #tpu.memory_space<hbm>>
        tpu.wait_dma2 semaphore(%run_scoped3A : memref<!tpu.dma_semaphore, #tpu.memory_space<semaphore_mem>>) src(%dma_wait3A_269 : memref<8x12800xf32, #tpu.memory_space<hbm>>) dst(%arg4 : memref<8x12800xf32, #tpu.memory_space<vmem>>)
        tpu.yield
      }) : () -> ()
      "tpu.region"() ({
        %run_scoped3A = tpu.sem_alloc : memref<!tpu.dma_semaphore, #tpu.memory_space<semaphore_mem>>
        %dma_start3A = tpu.memref_slice %arg3[%multiple_of3A, %multiple_of3A_267] : memref<64x500000xf32, #tpu.memory_space<hbm>> -> memref<8x12800xf32, #tpu.memory_space<hbm>>
        %dma_start3A_268 = tpu.memref_slice %arg3[%multiple_of3A, %multiple_of3A_267] : memref<64x500000xf32, #tpu.memory_space<hbm>> -> memref<8x12800xf32, #tpu.memory_space<hbm>>
        tpu.enqueue_dma source(%arg4 : memref<8x12800xf32, #tpu.memory_space<vmem>>) target(%dma_start3A_268 : memref<8x12800xf32, #tpu.memory_space<hbm>>) target_semaphore(%run_scoped3A : memref<!tpu.dma_semaphore, #tpu.memory_space<semaphore_mem>>)
        %dma_wait3A = tpu.memref_slice %arg3[%multiple_of3A, %multiple_of3A_267] : memref<64x500000xf32, #tpu.memory_space<hbm>> -> memref<8x12800xf32, #tpu.memory_space<hbm>>
        %dma_wait3A_269 = tpu.memref_slice %arg3[%multiple_of3A, %multiple_of3A_267] : memref<64x500000xf32, #tpu.memory_space<hbm>> -> memref<8x12800xf32, #tpu.memory_space<hbm>>
        tpu.wait_dma2 semaphore(%run_scoped3A : memref<!tpu.dma_semaphore, #tpu.memory_space<semaphore_mem>>) src(%arg4 : memref<8x12800xf32, #tpu.memory_space<vmem>>) dst(%dma_wait3A_269 : memref<8x12800xf32, #tpu.memory_space<hbm>>)
        tpu.yield
      }) : () -> ()
    } else {
    }
    %jit3A_190 = arith.constant 4 : i32
    %eq3A_191 = arith.constant 0 : i32
    %eq3A_192 = arith.cmpi eq, %jit3A_190, %eq3A_191 : i32
    %jit3A_193 = arith.constant 1 : i32
    %select_n3A_194 = arith.select %eq3A_192, %jit3A_193, %jit3A_190 : i32
    %rem3A_195 = arith.remsi %add3A, %select_n3A_194 : i32
    %ne3A_196 = arith.constant 0 : i32
    %ne3A_197 = arith.cmpi ne, %rem3A_195, %ne3A_196 : i32
    %lt3A_198 = arith.constant 0 : i32
    %lt3A_199 = arith.cmpi slt, %rem3A_195, %lt3A_198 : i32
    %lt3A_200 = arith.constant 0 : i32
    %lt3A_201 = arith.cmpi slt, %select_n3A_194, %lt3A_200 : i32
    %ne3A_202 = arith.xori %lt3A_199, %lt3A_201 : i1
    %and3A_203 = arith.andi %ne3A_202, %ne3A_197 : i1
    %add3A_204 = arith.addi %rem3A_195, %select_n3A_194 : i32
    %select_n3A_205 = arith.select %and3A_203, %add3A_204, %rem3A_195 : i32
    %mul3A_206 = arith.constant 10 : i32
    %mul3A_207 = arith.muli %select_n3A_205, %mul3A_206 : i32
    %add3A_208 = arith.constant 7 : i32
    %add3A_209 = arith.addi %mul3A_207, %add3A_208 : i32
    %lt3A_210 = arith.constant 39 : i32
    %lt3A_211 = arith.cmpi slt, %add3A_209, %lt3A_210 : i32
    %convert_element_type3A_212 = arith.extui %lt3A_211 : i1 to i32
    %cond3A_213 = arith.constant 0 : i32
    %cond3A_214 = arith.cmpi ne, %convert_element_type3A_212, %cond3A_213 : i32
    scf.if %cond3A_214 {
      %mul3A_265 = arith.constant 12800 : i32
      %mul3A_266 = arith.muli %add3A_209, %mul3A_265 : i32
      %multiple_of3A_267 = tpu.assume_multiple %mul3A_266, 128 : i32
      "tpu.region"() ({
        %run_scoped3A = tpu.sem_alloc : memref<!tpu.dma_semaphore, #tpu.memory_space<semaphore_mem>>
        %dma_start3A = tpu.memref_slice %arg2[%multiple_of3A, %multiple_of3A_267] : memref<64x500000xf32, #tpu.memory_space<hbm>> -> memref<8x12800xf32, #tpu.memory_space<hbm>>
        %dma_start3A_268 = tpu.memref_slice %arg2[%multiple_of3A, %multiple_of3A_267] : memref<64x500000xf32, #tpu.memory_space<hbm>> -> memref<8x12800xf32, #tpu.memory_space<hbm>>
        tpu.enqueue_dma source(%dma_start3A_268 : memref<8x12800xf32, #tpu.memory_space<hbm>>) target(%arg4 : memref<8x12800xf32, #tpu.memory_space<vmem>>) target_semaphore(%run_scoped3A : memref<!tpu.dma_semaphore, #tpu.memory_space<semaphore_mem>>)
        %dma_wait3A = tpu.memref_slice %arg2[%multiple_of3A, %multiple_of3A_267] : memref<64x500000xf32, #tpu.memory_space<hbm>> -> memref<8x12800xf32, #tpu.memory_space<hbm>>
        %dma_wait3A_269 = tpu.memref_slice %arg2[%multiple_of3A, %multiple_of3A_267] : memref<64x500000xf32, #tpu.memory_space<hbm>> -> memref<8x12800xf32, #tpu.memory_space<hbm>>
        tpu.wait_dma2 semaphore(%run_scoped3A : memref<!tpu.dma_semaphore, #tpu.memory_space<semaphore_mem>>) src(%dma_wait3A_269 : memref<8x12800xf32, #tpu.memory_space<hbm>>) dst(%arg4 : memref<8x12800xf32, #tpu.memory_space<vmem>>)
        tpu.yield
      }) : () -> ()
      "tpu.region"() ({
        %run_scoped3A = tpu.sem_alloc : memref<!tpu.dma_semaphore, #tpu.memory_space<semaphore_mem>>
        %dma_start3A = tpu.memref_slice %arg3[%multiple_of3A, %multiple_of3A_267] : memref<64x500000xf32, #tpu.memory_space<hbm>> -> memref<8x12800xf32, #tpu.memory_space<hbm>>
        %dma_start3A_268 = tpu.memref_slice %arg3[%multiple_of3A, %multiple_of3A_267] : memref<64x500000xf32, #tpu.memory_space<hbm>> -> memref<8x12800xf32, #tpu.memory_space<hbm>>
        tpu.enqueue_dma source(%arg4 : memref<8x12800xf32, #tpu.memory_space<vmem>>) target(%dma_start3A_268 : memref<8x12800xf32, #tpu.memory_space<hbm>>) target_semaphore(%run_scoped3A : memref<!tpu.dma_semaphore, #tpu.memory_space<semaphore_mem>>)
        %dma_wait3A = tpu.memref_slice %arg3[%multiple_of3A, %multiple_of3A_267] : memref<64x500000xf32, #tpu.memory_space<hbm>> -> memref<8x12800xf32, #tpu.memory_space<hbm>>
        %dma_wait3A_269 = tpu.memref_slice %arg3[%multiple_of3A, %multiple_of3A_267] : memref<64x500000xf32, #tpu.memory_space<hbm>> -> memref<8x12800xf32, #tpu.memory_space<hbm>>
        tpu.wait_dma2 semaphore(%run_scoped3A : memref<!tpu.dma_semaphore, #tpu.memory_space<semaphore_mem>>) src(%arg4 : memref<8x12800xf32, #tpu.memory_space<vmem>>) dst(%dma_wait3A_269 : memref<8x12800xf32, #tpu.memory_space<hbm>>)
        tpu.yield
      }) : () -> ()
    } else {
    }
    %jit3A_215 = arith.constant 4 : i32
    %eq3A_216 = arith.constant 0 : i32
    %eq3A_217 = arith.cmpi eq, %jit3A_215, %eq3A_216 : i32
    %jit3A_218 = arith.constant 1 : i32
    %select_n3A_219 = arith.select %eq3A_217, %jit3A_218, %jit3A_215 : i32
    %rem3A_220 = arith.remsi %add3A, %select_n3A_219 : i32
    %ne3A_221 = arith.constant 0 : i32
    %ne3A_222 = arith.cmpi ne, %rem3A_220, %ne3A_221 : i32
    %lt3A_223 = arith.constant 0 : i32
    %lt3A_224 = arith.cmpi slt, %rem3A_220, %lt3A_223 : i32
    %lt3A_225 = arith.constant 0 : i32
    %lt3A_226 = arith.cmpi slt, %select_n3A_219, %lt3A_225 : i32
    %ne3A_227 = arith.xori %lt3A_224, %lt3A_226 : i1
    %and3A_228 = arith.andi %ne3A_227, %ne3A_222 : i1
    %add3A_229 = arith.addi %rem3A_220, %select_n3A_219 : i32
    %select_n3A_230 = arith.select %and3A_228, %add3A_229, %rem3A_220 : i32
    %mul3A_231 = arith.constant 10 : i32
    %mul3A_232 = arith.muli %select_n3A_230, %mul3A_231 : i32
    %add3A_233 = arith.constant 8 : i32
    %add3A_234 = arith.addi %mul3A_232, %add3A_233 : i32
    %lt3A_235 = arith.constant 39 : i32
    %lt3A_236 = arith.cmpi slt, %add3A_234, %lt3A_235 : i32
    %convert_element_type3A_237 = arith.extui %lt3A_236 : i1 to i32
    %cond3A_238 = arith.constant 0 : i32
    %cond3A_239 = arith.cmpi ne, %convert_element_type3A_237, %cond3A_238 : i32
    scf.if %cond3A_239 {
      %mul3A_265 = arith.constant 12800 : i32
      %mul3A_266 = arith.muli %add3A_234, %mul3A_265 : i32
      %multiple_of3A_267 = tpu.assume_multiple %mul3A_266, 128 : i32
      "tpu.region"() ({
        %run_scoped3A = tpu.sem_alloc : memref<!tpu.dma_semaphore, #tpu.memory_space<semaphore_mem>>
        %dma_start3A = tpu.memref_slice %arg2[%multiple_of3A, %multiple_of3A_267] : memref<64x500000xf32, #tpu.memory_space<hbm>> -> memref<8x12800xf32, #tpu.memory_space<hbm>>
        %dma_start3A_268 = tpu.memref_slice %arg2[%multiple_of3A, %multiple_of3A_267] : memref<64x500000xf32, #tpu.memory_space<hbm>> -> memref<8x12800xf32, #tpu.memory_space<hbm>>
        tpu.enqueue_dma source(%dma_start3A_268 : memref<8x12800xf32, #tpu.memory_space<hbm>>) target(%arg4 : memref<8x12800xf32, #tpu.memory_space<vmem>>) target_semaphore(%run_scoped3A : memref<!tpu.dma_semaphore, #tpu.memory_space<semaphore_mem>>)
        %dma_wait3A = tpu.memref_slice %arg2[%multiple_of3A, %multiple_of3A_267] : memref<64x500000xf32, #tpu.memory_space<hbm>> -> memref<8x12800xf32, #tpu.memory_space<hbm>>
        %dma_wait3A_269 = tpu.memref_slice %arg2[%multiple_of3A, %multiple_of3A_267] : memref<64x500000xf32, #tpu.memory_space<hbm>> -> memref<8x12800xf32, #tpu.memory_space<hbm>>
        tpu.wait_dma2 semaphore(%run_scoped3A : memref<!tpu.dma_semaphore, #tpu.memory_space<semaphore_mem>>) src(%dma_wait3A_269 : memref<8x12800xf32, #tpu.memory_space<hbm>>) dst(%arg4 : memref<8x12800xf32, #tpu.memory_space<vmem>>)
        tpu.yield
      }) : () -> ()
      "tpu.region"() ({
        %run_scoped3A = tpu.sem_alloc : memref<!tpu.dma_semaphore, #tpu.memory_space<semaphore_mem>>
        %dma_start3A = tpu.memref_slice %arg3[%multiple_of3A, %multiple_of3A_267] : memref<64x500000xf32, #tpu.memory_space<hbm>> -> memref<8x12800xf32, #tpu.memory_space<hbm>>
        %dma_start3A_268 = tpu.memref_slice %arg3[%multiple_of3A, %multiple_of3A_267] : memref<64x500000xf32, #tpu.memory_space<hbm>> -> memref<8x12800xf32, #tpu.memory_space<hbm>>
        tpu.enqueue_dma source(%arg4 : memref<8x12800xf32, #tpu.memory_space<vmem>>) target(%dma_start3A_268 : memref<8x12800xf32, #tpu.memory_space<hbm>>) target_semaphore(%run_scoped3A : memref<!tpu.dma_semaphore, #tpu.memory_space<semaphore_mem>>)
        %dma_wait3A = tpu.memref_slice %arg3[%multiple_of3A, %multiple_of3A_267] : memref<64x500000xf32, #tpu.memory_space<hbm>> -> memref<8x12800xf32, #tpu.memory_space<hbm>>
        %dma_wait3A_269 = tpu.memref_slice %arg3[%multiple_of3A, %multiple_of3A_267] : memref<64x500000xf32, #tpu.memory_space<hbm>> -> memref<8x12800xf32, #tpu.memory_space<hbm>>
        tpu.wait_dma2 semaphore(%run_scoped3A : memref<!tpu.dma_semaphore, #tpu.memory_space<semaphore_mem>>) src(%arg4 : memref<8x12800xf32, #tpu.memory_space<vmem>>) dst(%dma_wait3A_269 : memref<8x12800xf32, #tpu.memory_space<hbm>>)
        tpu.yield
      }) : () -> ()
    } else {
    }
    %jit3A_240 = arith.constant 4 : i32
    %eq3A_241 = arith.constant 0 : i32
    %eq3A_242 = arith.cmpi eq, %jit3A_240, %eq3A_241 : i32
    %jit3A_243 = arith.constant 1 : i32
    %select_n3A_244 = arith.select %eq3A_242, %jit3A_243, %jit3A_240 : i32
    %rem3A_245 = arith.remsi %add3A, %select_n3A_244 : i32
    %ne3A_246 = arith.constant 0 : i32
    %ne3A_247 = arith.cmpi ne, %rem3A_245, %ne3A_246 : i32
    %lt3A_248 = arith.constant 0 : i32
    %lt3A_249 = arith.cmpi slt, %rem3A_245, %lt3A_248 : i32
    %lt3A_250 = arith.constant 0 : i32
    %lt3A_251 = arith.cmpi slt, %select_n3A_244, %lt3A_250 : i32
    %ne3A_252 = arith.xori %lt3A_249, %lt3A_251 : i1
    %and3A_253 = arith.andi %ne3A_252, %ne3A_247 : i1
    %add3A_254 = arith.addi %rem3A_245, %select_n3A_244 : i32
    %select_n3A_255 = arith.select %and3A_253, %add3A_254, %rem3A_245 : i32
    %mul3A_256 = arith.constant 10 : i32
    %mul3A_257 = arith.muli %select_n3A_255, %mul3A_256 : i32
    %add3A_258 = arith.constant 9 : i32
    %add3A_259 = arith.addi %mul3A_257, %add3A_258 : i32
    %lt3A_260 = arith.constant 39 : i32
    %lt3A_261 = arith.cmpi slt, %add3A_259, %lt3A_260 : i32
    %convert_element_type3A_262 = arith.extui %lt3A_261 : i1 to i32
    %cond3A_263 = arith.constant 0 : i32
    %cond3A_264 = arith.cmpi ne, %convert_element_type3A_262, %cond3A_263 : i32
    scf.if %cond3A_264 {
      %mul3A_265 = arith.constant 12800 : i32
      %mul3A_266 = arith.muli %add3A_259, %mul3A_265 : i32
      %multiple_of3A_267 = tpu.assume_multiple %mul3A_266, 128 : i32
      "tpu.region"() ({
        %run_scoped3A = tpu.sem_alloc : memref<!tpu.dma_semaphore, #tpu.memory_space<semaphore_mem>>
        %dma_start3A = tpu.memref_slice %arg2[%multiple_of3A, %multiple_of3A_267] : memref<64x500000xf32, #tpu.memory_space<hbm>> -> memref<8x12800xf32, #tpu.memory_space<hbm>>
        %dma_start3A_268 = tpu.memref_slice %arg2[%multiple_of3A, %multiple_of3A_267] : memref<64x500000xf32, #tpu.memory_space<hbm>> -> memref<8x12800xf32, #tpu.memory_space<hbm>>
        tpu.enqueue_dma source(%dma_start3A_268 : memref<8x12800xf32, #tpu.memory_space<hbm>>) target(%arg4 : memref<8x12800xf32, #tpu.memory_space<vmem>>) target_semaphore(%run_scoped3A : memref<!tpu.dma_semaphore, #tpu.memory_space<semaphore_mem>>)
        %dma_wait3A = tpu.memref_slice %arg2[%multiple_of3A, %multiple_of3A_267] : memref<64x500000xf32, #tpu.memory_space<hbm>> -> memref<8x12800xf32, #tpu.memory_space<hbm>>
        %dma_wait3A_269 = tpu.memref_slice %arg2[%multiple_of3A, %multiple_of3A_267] : memref<64x500000xf32, #tpu.memory_space<hbm>> -> memref<8x12800xf32, #tpu.memory_space<hbm>>
        tpu.wait_dma2 semaphore(%run_scoped3A : memref<!tpu.dma_semaphore, #tpu.memory_space<semaphore_mem>>) src(%dma_wait3A_269 : memref<8x12800xf32, #tpu.memory_space<hbm>>) dst(%arg4 : memref<8x12800xf32, #tpu.memory_space<vmem>>)
        tpu.yield
      }) : () -> ()
      "tpu.region"() ({
        %run_scoped3A = tpu.sem_alloc : memref<!tpu.dma_semaphore, #tpu.memory_space<semaphore_mem>>
        %dma_start3A = tpu.memref_slice %arg3[%multiple_of3A, %multiple_of3A_267] : memref<64x500000xf32, #tpu.memory_space<hbm>> -> memref<8x12800xf32, #tpu.memory_space<hbm>>
        %dma_start3A_268 = tpu.memref_slice %arg3[%multiple_of3A, %multiple_of3A_267] : memref<64x500000xf32, #tpu.memory_space<hbm>> -> memref<8x12800xf32, #tpu.memory_space<hbm>>
        tpu.enqueue_dma source(%arg4 : memref<8x12800xf32, #tpu.memory_space<vmem>>) target(%dma_start3A_268 : memref<8x12800xf32, #tpu.memory_space<hbm>>) target_semaphore(%run_scoped3A : memref<!tpu.dma_semaphore, #tpu.memory_space<semaphore_mem>>)
        %dma_wait3A = tpu.memref_slice %arg3[%multiple_of3A, %multiple_of3A_267] : memref<64x500000xf32, #tpu.memory_space<hbm>> -> memref<8x12800xf32, #tpu.memory_space<hbm>>
        %dma_wait3A_269 = tpu.memref_slice %arg3[%multiple_of3A, %multiple_of3A_267] : memref<64x500000xf32, #tpu.memory_space<hbm>> -> memref<8x12800xf32, #tpu.memory_space<hbm>>
        tpu.wait_dma2 semaphore(%run_scoped3A : memref<!tpu.dma_semaphore, #tpu.memory_space<semaphore_mem>>) src(%arg4 : memref<8x12800xf32, #tpu.memory_space<vmem>>) dst(%dma_wait3A_269 : memref<8x12800xf32, #tpu.memory_space<hbm>>)
        tpu.yield
      }) : () -> ()
    } else {
    }
    return
  }
}

</mosaic_0001>

<sc_bundles>
// kernel: kernel.3.cloned.1.call-start
scs
__scs_entry_jumppad:
0x0: {  	(pc) =	sbr.rel $0x88, $3  }
0x1: {  	(tag) =	ssettag $0x0;
	lr =	simm.s32 $0x1  }
0x2: {  	[smem:$0x3FA0] =	sst lr;
	_ =	strace $0xD0000000  }
0x3: {  	_ = 	snop  }
0x4: {  	_ = 	snop  }
0x5: {  	_ = 	snop  }
0x6: {  	_ = 	snop  }
0x7: {  	_ = 	snop  }
__scs_overlays_trampoline_lowered:
0x8: {  	[smem:$0x3FAF] =	sst s0  }
0x9: {  	[smem:$0x3FB0] =	sst s1  }
0xa: {  	[smem:$0x3FB1] =	sst s2  }
0xb: {  	[smem:$0x3FB2] =	sst s3  }
0xc: {  	[smem:$0x3FB3] =	sst s4  }
0xd: {  	[smem:$0x3FB4] =	sst s5  }
0xe: {  	[smem:$0x3FB5] =	sst s6  }
0xf: {  	[smem:$0x3FB6] =	sst s7  }
0x10: {  	[smem:$0x3FB7] =	sst s8  }
0x11: {  	[smem:$0x3FB8] =	sst s9;
	s0 =	simm.s32 @!p0 $0x0  }
0x12: {  	s1 =	sld [smem:$0x3F9E];
	s0 =	simm.s32 @p0 $0x1  }
0x13: {  	[smem:$0x3FB9] =	sst s0;
	s0 =	simm.s32 @!p1 $0x0  }
0x14: {  	s2 =	sld [smem:$0x3F9D];
	s0 =	simm.s32 @p1 $0x1  }
0x15: {  	[smem:$0x3FBA] =	sst s0;
	s0 =	simm.s32 @!p2 $0x0  }
0x16: {  	s3 =	sld [smem:$0x3FDB];
	s0 =	simm.s32 @p2 $0x1  }
0x17: {  	s4 =	simm.s32 $0x1BF5;
	[smem:$0x3FBC] =	sst s0  }
0x18: {  	s0 =	sld [smem:$0x3F9F];
	_ =	swait.ge [sflag:s4], $0x0  }
0x19: {  	s7 =	sld [smem:$0x3FA0]  }
0x1a: {  	s8 =	sadd.s32 $0xFFFFE003, lr  }
0x1b: {  	s9 =	sadd.s32 $0xFFFFFEF7, lr;
	s5 =	simm.s32 $0xFFFFFFFF;
	p2 =	slt.u32 s8, $0xFFFFF086  }
0x1c: {  	p1 =	slt.u32 s9, $0xF7A;
	s5 =	simm.s32 @!p2 $0x0  }
0x1d: {  	s5 =	simm.s32 @p1 $0x1;
	p0 =	seq.s32 s7, s2  }
0x1e: {  	s7 =	smul.u32 @!p0 $0xF7A, s2;
	p2 =	seq.s32 @!p0 s5, $0x0  }
0x1f: {  	s9 =	smul.u32 $0xF7A, s1;
	s8 =	simm.s32 @!p0 $0x1BF5;
	p2 =	por !p2, p0  }
0x20: {  	[sflag:s8] =	ssyncset.s32 @!p0 $0xFFFFF086;
	s6 =	sadd.s32 @!p0 s3, s7;
	s7 =	simm.s32 @!p0 $0x108  }
0x21: {  	s3 =	sadd.s32 s3, s9;
	s6 =	sadd.s32 @!p0 $0x88, s6;
	s7 =	simm.s32 @p2 $0x1082  }
0x22: {  	[simem:s7], [sflag:s8] =	dma.local @!p0 [hbm:s6], $0xF7A  }
0x23: {  	s9 =	sor.u32 $0xD0000000, s2;
	s6 =	simm.s32 $0x108;
	_ =	swait.ge @!p0 [sflag:s8], $0x0  }
0x24: {  	s3 =	sadd.s32 $0x88, s3;
	s6 =	simm.s32 @!p1 $0x1082;
	[sflag:s4] =	ssyncset.s32 $0xFFFFF086  }
0x25: {  	[simem:s6], [sflag:s4] =	dma.local [hbm:s3], $0xF7A  }
0x26: {  	[smem:$0x3FA0] =	sst s1;
	(tag) =	ssettag s2;
	_ =	strace s9  }
0x27: {  	s1 =	sld [smem:$0x3FB0]  }
0x28: {  	s2 =	sld [smem:$0x3FB1]  }
0x29: {  	s4 =	sld [smem:$0x3FB3]  }
0x2a: {  	p0 =	seq.s32 s5, $0x0;
	s5 =	sld [smem:$0x3FB4]  }
0x2b: {  	s6 =	sld [smem:$0x3FB5]  }
0x2c: {  	s7 =	sld [smem:$0x3FB6]  }
0x2d: {  	s3 =	simm.s32 $0x108;
	s8 =	sld [smem:$0x3FB7]  }
0x2e: {  	s3 =	simm.s32 @!p0 $0x1082;
	s9 =	sld [smem:$0x3FB8]  }
0x2f: {  	lr =	sadd.s32 s0, s3;
	s0 =	sld [smem:$0x3FAF]  }
0x30: {  	s3 =	sld [smem:$0x3FB2]  }
0x31: {  	[smem:$0x3FBB] =	sst s10  }
0x32: {  	s10 =	sld [smem:$0x3FB9];
	_ =	sdelay $0x3  }
0x33: {  	p0 =	seq.s32 s10, $0x1;
	s10 =	sld [smem:$0x3FBB];
	_ =	sdelay $0x3  }
0x34: {  	[smem:$0x3FBB] =	sst s10  }
0x35: {  	s10 =	sld [smem:$0x3FBA];
	_ =	sdelay $0x3  }
0x36: {  	p1 =	seq.s32 s10, $0x1;
	s10 =	sld [smem:$0x3FBB];
	_ =	sdelay $0x3  }
0x37: {  	[smem:$0x3FBB] =	sst s10  }
0x38: {  	s10 =	sld [smem:$0x3FBC]  }
0x39: {  	_ = 	snop;
	(pc) =	sbr.ind lr, $3  }
0x3a: {  	_ = 	snop  }
0x3b: {  	_ = 	snop  }
0x3c: {  	p2 =	seq.s32 s10, $0x1;
	s10 =	sld [smem:$0x3FBB]  }
0x3d: {  	_ =	shalt  }
0x3e: {  	_ =	shalt  }
0x3f: {  	_ =	shalt  }
0x40: {  	_ =	shalt  }
0x41: {  	_ =	shalt  }
0x42: {  	_ =	shalt  }
0x43: {  	_ =	shalt  }
0x44: {  	_ =	shalt  }
0x45: {  	_ =	shalt  }
0x46: {  	_ =	shalt  }
0x47: {  	_ =	shalt  }
0x48: {  	_ =	shalt  }
0x49: {  	_ =	shalt  }
0x4a: {  	_ =	shalt  }
0x4b: {  	_ =	shalt  }
0x4c: {  	_ =	shalt  }
0x4d: {  	_ =	shalt  }
0x4e: {  	_ =	shalt  }
0x4f: {  	_ =	shalt  }
0x50: {  	_ =	shalt  }
0x51: {  	_ =	shalt  }
0x52: {  	_ =	shalt  }
0x53: {  	_ =	shalt  }
0x54: {  	_ =	shalt  }
0x55: {  	_ =	shalt  }
0x56: {  	_ =	shalt  }
0x57: {  	_ =	shalt  }
0x58: {  	_ =	shalt  }
0x59: {  	_ =	shalt  }
0x5a: {  	_ =	shalt  }
0x5b: {  	_ =	shalt  }
0x5c: {  	_ =	shalt  }
0x5d: {  	_ =	shalt  }
0x5e: {  	_ =	shalt  }
0x5f: {  	_ =	shalt  }
0x60: {  	_ =	shalt  }
0x61: {  	_ =	shalt  }
0x62: {  	_ =	shalt  }
0x63: {  	_ =	shalt  }
0x64: {  	_ =	shalt  }
0x65: {  	_ =	shalt  }
0x66: {  	_ =	shalt  }
0x67: {  	_ =	shalt  }
0x68: {  	_ =	shalt  }
0x69: {  	_ =	shalt  }
0x6a: {  	_ =	shalt  }
0x6b: {  	_ =	shalt  }
0x6c: {  	_ =	shalt  }
0x6d: {  	_ =	shalt  }
0x6e: {  	_ =	shalt  }
0x6f: {  	_ =	shalt  }
0x70: {  	_ =	shalt  }
0x71: {  	_ =	shalt  }
0x72: {  	_ =	shalt  }
0x73: {  	_ =	shalt  }
0x74: {  	_ =	shalt  }
0x75: {  	_ =	shalt  }
0x76: {  	_ =	shalt  }
0x77: {  	_ =	shalt  }
0x78: {  	_ =	shalt  }
0x79: {  	_ =	shalt  }
0x7a: {  	_ =	shalt  }
0x7b: {  	_ =	shalt  }
0x7c: {  	_ =	shalt  }
0x7d: {  	_ =	shalt  }
0x7e: {  	_ =	shalt  }
0x7f: {  	_ =	shalt  }
0x80: {  	_ =	shalt  }
0x81: {  	_ =	shalt  }
0x82: {  	_ =	shalt  }
0x83: {  	_ =	shalt  }
0x84: {  	_ =	shalt  }
0x85: {  	_ =	shalt  }
0x86: {  	_ =	shalt  }
0x87: {  	_ =	shalt  }
.Lfunc_end0:
.L_simem_size_0:
called_computation_lowered:
.L_overlay_start_0:
0x88: {  	s2 =	sld [smem:$0x3FD9]  }
0x89: {  	s3 =	sld [smem:$0x3FFE];
	_ =	sdelay $0x1  }
0x8a: {  	s1 =	srdreg.scid  }
0x8b: {  	s0 =	sand.u32 $0x1, s1  }
0x8c: {  	s18 =	sshll.u32 s0, $0xA;
	s2 =	sadd.s32 s3, s2  }
0x8d: {  	s2 =	sadd.s32 s2, s18  }
0x8e: {  	[smem:$0x3FC7] =	sst s2  }
0x8f: {  	_ = 	snop  }
0x90: {  	s2 =	sld [smem:$0x3FC9]  }
0x91: {  	s19 =	sld [smem:$0x3FD0];
	(tm) =	ssettm $0x1  }
0x92: {  	s4 =	sld [smem:$0x3FFB];
	_ =	sdelay $0x3  }
0x93: {  	_ =	strace s4  }
0x94: {  	s4 =	sld [smem:$0x3FFC];
	_ =	sdelay $0x3  }
0x95: {  	_ =	strace s4  }
0x96: {  	s4 =	sld [smem:$0x3FFD];
	_ =	sdelay $0x3  }
0x97: {  	_ =	strace s4  }
0x98: {  	_ =	strace $0x8FFFFFFF  }
0x99: {  	s20 =	sld [smem:$0x3FDB];
	_ =	sdelay $0x1  }
0x9a: {  	s5 =	simm.s32 $_scs_section_size  }
0x9b: {  	s6 =	simm.s32 $_size__tile_overlayer_lowered;
	s7 =	simm.s32 $_tile_overlayer_lowered  }
0x9c: {  	s23 =	simm.s32 $0x1BFF;
	s22 =	sshll.u32 s7, $0x1;
	s4 =	sadd.s32 s5, s20  }
0x9d: {  	s8 =	simm.s32 $0x0;
	s21 =	sshll.u32 s6, $0x1;
	s6 =	sadd.s32 s22, s4  }
0x9e: {  	[timem:s8], [sflag:s23] =	dma.local [hbm:s6], s21  }
0x9f: {  	_ =	swait.ge [sflag:s23], s21  }
0xa0: {  	s5 =	ssub.s32 $0x0, s21;
	[sflag:s23] =	ssyncset.done $0x0  }
0xa1: {  	[sflag:s23] =	ssyncadd.s32 s5;
	_ =	sdelay $0x1  }
0xa2: {  	s24 =	simm.s32 $0x1B8B  }
0xa3: {  	_ =	swait.ge [sflag:s24], $0x1  }
0xa4: {  	[sflag:s24] =	ssyncset.done $0x0  }
0xa5: {  	s25 =	simm.s32 $0x1B8E;
	[sflag:s24] =	ssyncadd.s32 $0xFFFFFFFF  }
0xa6: {  	s26 =	simm.s32 $execute0_lowered;
	[smem:$0x3FD2] =	sst s25  }
0xa7: {  	s5 =	sshll.u32 s26, $0x1;
	_ =	strace $0x80000046;
	[dreg:$0x1] =	wrdreg $0xFFFFFFFF  }
0xa8: {  	s28 =	simm.s32 $_size_execute0_lowered;
	s4 =	sadd.s32 s4, s5;
	[dreg:$0x0] =	wrdreg $0x0  }
0xa9: {  	s5 =	sshll.u32 s28, $0x1;
	[dreg:$0x2] =	wrdreg s4  }
0xaa: {  	[dreg:$0x3] =	wrdreg s5  }
0xab: {  	[dreg:$0x4] =	wrdreg $0xC0  }
0xac: {  	_ =	task [dreg:s8], $0x5FFFF  }
0xad: {  	[dreg:$0x1] =	wrdreg $0xFFFFFFFF  }
0xae: {  	[dreg:$0x0] =	wrdreg $0x60  }
0xaf: {  	[dreg:$0x2] =	wrdreg s2  }
0xb0: {  	[dreg:$0x3] =	wrdreg s19  }
0xb1: {  	[dreg:$0x4] =	wrdreg $0x9  }
0xb2: {  	_ =	task.clear_ibuf [dreg:s8], $0x5FFFF;
	_ =	strace $0x90000046  }
0xb3: {  	s29 =	simm.s32 $0x9;
	_ =	strace $0x80000048  }
0xb4: {  	_ =	swait.ge [sflag:s29], $0x1  }
0xb5: {  	[sflag:s29] =	ssyncadd.s32 $0xFFFFFFFF  }
0xb6: {  	_ =	strace $0x90000048  }
0xb7: {  	_ =	sfence  }
0xb8: {  	s30 =	sld [smem:$0x0];
	_ =	sdelay $0x2  }
0xb9: {  	s31 =	sshll.u32 s1, $0xD;
	s1 =	sshrl.u32 s1, $0x2  }
0xba: {  	s3 =	sand.u32 $0x4000, s31;
	s1 =	sadd.s32 s1, s30  }
0xbb: {  	s0 =	sor.u32 s3, s0;
	s1 =	sshll.u32 s1, $0x11  }
0xbc: {  	s0 =	sor.u32 s1, s0  }
0xbd: {  	s0 =	sadd.s32 $0x8F2B, s0  }
0xbe: {  	[sflag:s0] =	ssyncadd.remote.s32 $0x1  }
0xbf: {  	_ =	sfence.sel $0xFFFF  }
0xc0: {  	[dreg:$0x0] =	wrdreg $0xFFFFFFFF;
	(pc) =	sbr.abs _section_cstart, $3  }
0xc1: {  	[dreg:$0x1] =	wrdreg $0xFFFFFFFF  }
0xc2: {  	_ =	task.clear_ibuf [dreg:s8], $0x2FFFF;
	_ =	strace $0x9FFFFFFF  }
0xc3: {  	(tm) =	ssettm $0x7FFFFFFF  }
tec
execute0_lowered:
.L_overlay_start_1:
0x0: {  	(tag) =	ssettag $0x1  }
0x1: {  	s0 =	stileid.u32  }
0x2: {  	s1 =	srdreg.scid;
	s2 =	sshll.u32 s0, $0x1  }
0x3: {  	s22 =	sand.u32 $0x1, s1;
	s31 =	sshrl.u32 s0, $0x1;
	s2 =	sand.u32 $0x2, s2  }
0x4: {  	s3 =	smul.u32 $0x3D0C00, s31;
	s24 =	sor.u32 s22, s2  }
0x5: {  	s23 =	rddreg [dreg:$0x0];
	s4 =	smul.u32 $0xFA000, s24  }
0x6: {  	s25 =	rddreg [dreg:$0x1]  }
0x7: {  	s1 =	rddreg [dreg:$0x2];
	s2 =	simm.s32 $0x0;
	s3 =	sadd.s32 s3, s4  }
0x8: {  	[smem:$0x7FF] =	sst s2;
	s26 =	sshrl.u32 s3, $0x3  }
0x9: {  	_ =	strace $0x80000047;
	s4 =	simm.s32 $0x1;
	s3 =	sadd.s32 s23, s26  }
0xa: {  	[tilespmem:s2], [sflag:$0x1] =	stream.linear.gather [hbm4b:s3+s2], $0x19000, $0x38;
	[tilespmem:$0x19000] =	vst v63  }
0xb: {  	_ =	swait.ge [sflag:s4], $0x19000  }
0xc: {  	[sflag:s4] =	ssyncset.done $0x0  }
0xd: {  	s5 =	sadd.s32 s25, s26;
	[sflag:s4] =	ssyncadd.s32 $0xFFFE7000  }
0xe: {  	[hbm4b:s5+s2] =	stream.linear.scatter [tilespmem:s2], [sflag:$0x1], $0x19000, $0x38;
	[tilespmem:$0x19000] =	vst v63  }
0xf: {  	_ =	swait.ge [sflag:s4], $0x19000  }
0x10: {  	s7 =	sadd.s32 $0x3200, s26;
	[sflag:s4] =	ssyncset.done $0x0  }
0x11: {  	s6 =	sadd.s32 s23, s7;
	[sflag:s4] =	ssyncadd.s32 $0xFFFE7000  }
0x12: {  	[tilespmem:s2], [sflag:$0x1] =	stream.linear.gather [hbm4b:s6+s2], $0x19000, $0x38;
	[tilespmem:$0x19000] =	vst v63  }
0x13: {  	_ =	swait.ge [sflag:s4], $0x19000  }
0x14: {  	[sflag:s4] =	ssyncset.done $0x0  }
0x15: {  	s7 =	sadd.s32 s25, s7;
	[sflag:s4] =	ssyncadd.s32 $0xFFFE7000  }
0x16: {  	[hbm4b:s7+s2] =	stream.linear.scatter [tilespmem:s2], [sflag:$0x1], $0x19000, $0x38;
	[tilespmem:$0x19000] =	vst v63  }
0x17: {  	_ =	swait.ge [sflag:s4], $0x19000  }
0x18: {  	s9 =	sadd.s32 $0x6400, s26;
	[sflag:s4] =	ssyncset.done $0x0  }
0x19: {  	s8 =	sadd.s32 s23, s9;
	[sflag:s4] =	ssyncadd.s32 $0xFFFE7000  }
0x1a: {  	[tilespmem:s2], [sflag:$0x1] =	stream.linear.gather [hbm4b:s8+s2], $0x19000, $0x38;
	[tilespmem:$0x19000] =	vst v63  }
0x1b: {  	_ =	swait.ge [sflag:s4], $0x19000  }
0x1c: {  	[sflag:s4] =	ssyncset.done $0x0  }
0x1d: {  	s9 =	sadd.s32 s25, s9;
	[sflag:s4] =	ssyncadd.s32 $0xFFFE7000  }
0x1e: {  	[hbm4b:s9+s2] =	stream.linear.scatter [tilespmem:s2], [sflag:$0x1], $0x19000, $0x38;
	[tilespmem:$0x19000] =	vst v63  }
0x1f: {  	_ =	swait.ge [sflag:s4], $0x19000  }
0x20: {  	s11 =	sadd.s32 $0x9600, s26;
	[sflag:s4] =	ssyncset.done $0x0  }
0x21: {  	s10 =	sadd.s32 s23, s11;
	[sflag:s4] =	ssyncadd.s32 $0xFFFE7000  }
0x22: {  	[tilespmem:s2], [sflag:$0x1] =	stream.linear.gather [hbm4b:s10+s2], $0x19000, $0x38;
	[tilespmem:$0x19000] =	vst v63  }
0x23: {  	_ =	swait.ge [sflag:s4], $0x19000  }
0x24: {  	[sflag:s4] =	ssyncset.done $0x0  }
0x25: {  	s11 =	sadd.s32 s25, s11;
	[sflag:s4] =	ssyncadd.s32 $0xFFFE7000  }
0x26: {  	[hbm4b:s11+s2] =	stream.linear.scatter [tilespmem:s2], [sflag:$0x1], $0x19000, $0x38;
	[tilespmem:$0x19000] =	vst v63  }
0x27: {  	_ =	swait.ge [sflag:s4], $0x19000  }
0x28: {  	s13 =	sadd.s32 $0xC800, s26;
	[sflag:s4] =	ssyncset.done $0x0  }
0x29: {  	s12 =	sadd.s32 s23, s13;
	[sflag:s4] =	ssyncadd.s32 $0xFFFE7000  }
0x2a: {  	[tilespmem:s2], [sflag:$0x1] =	stream.linear.gather [hbm4b:s12+s2], $0x19000, $0x38;
	[tilespmem:$0x19000] =	vst v63  }
0x2b: {  	_ =	swait.ge [sflag:s4], $0x19000  }
0x2c: {  	[sflag:s4] =	ssyncset.done $0x0  }
0x2d: {  	s13 =	sadd.s32 s25, s13;
	[sflag:s4] =	ssyncadd.s32 $0xFFFE7000  }
0x2e: {  	[hbm4b:s13+s2] =	stream.linear.scatter [tilespmem:s2], [sflag:$0x1], $0x19000, $0x38;
	[tilespmem:$0x19000] =	vst v63  }
0x2f: {  	_ =	swait.ge [sflag:s4], $0x19000  }
0x30: {  	s15 =	sadd.s32 $0xFA00, s26;
	[sflag:s4] =	ssyncset.done $0x0  }
0x31: {  	s14 =	sadd.s32 s23, s15;
	[sflag:s4] =	ssyncadd.s32 $0xFFFE7000  }
0x32: {  	[tilespmem:s2], [sflag:$0x1] =	stream.linear.gather [hbm4b:s14+s2], $0x19000, $0x38;
	[tilespmem:$0x19000] =	vst v63  }
0x33: {  	_ =	swait.ge [sflag:s4], $0x19000  }
0x34: {  	[sflag:s4] =	ssyncset.done $0x0  }
0x35: {  	s15 =	sadd.s32 s25, s15;
	[sflag:s4] =	ssyncadd.s32 $0xFFFE7000  }
0x36: {  	[hbm4b:s15+s2] =	stream.linear.scatter [tilespmem:s2], [sflag:$0x1], $0x19000, $0x38;
	[tilespmem:$0x19000] =	vst v63  }
0x37: {  	_ =	swait.ge [sflag:s4], $0x19000  }
0x38: {  	s17 =	sadd.s32 $0x12C00, s26;
	[sflag:s4] =	ssyncset.done $0x0  }
0x39: {  	s16 =	sadd.s32 s23, s17;
	[sflag:s4] =	ssyncadd.s32 $0xFFFE7000  }
0x3a: {  	[tilespmem:s2], [sflag:$0x1] =	stream.linear.gather [hbm4b:s16+s2], $0x19000, $0x38;
	[tilespmem:$0x19000] =	vst v63  }
0x3b: {  	_ =	swait.ge [sflag:s4], $0x19000  }
0x3c: {  	[sflag:s4] =	ssyncset.done $0x0  }
0x3d: {  	s17 =	sadd.s32 s25, s17;
	[sflag:s4] =	ssyncadd.s32 $0xFFFE7000  }
0x3e: {  	[hbm4b:s17+s2] =	stream.linear.scatter [tilespmem:s2], [sflag:$0x1], $0x19000, $0x38;
	[tilespmem:$0x19000] =	vst v63  }
0x3f: {  	_ =	swait.ge [sflag:s4], $0x19000  }
0x40: {  	s19 =	sadd.s32 $0x15E00, s26;
	[sflag:s4] =	ssyncset.done $0x0  }
0x41: {  	s18 =	sadd.s32 s23, s19;
	[sflag:s4] =	ssyncadd.s32 $0xFFFE7000  }
0x42: {  	[tilespmem:s2], [sflag:$0x1] =	stream.linear.gather [hbm4b:s18+s2], $0x19000, $0x38;
	[tilespmem:$0x19000] =	vst v63  }
0x43: {  	_ =	swait.ge [sflag:s4], $0x19000  }
0x44: {  	[sflag:s4] =	ssyncset.done $0x0  }
0x45: {  	s19 =	sadd.s32 s25, s19;
	[sflag:s4] =	ssyncadd.s32 $0xFFFE7000  }
0x46: {  	[hbm4b:s19+s2] =	stream.linear.scatter [tilespmem:s2], [sflag:$0x1], $0x19000, $0x38;
	[tilespmem:$0x19000] =	vst v63  }
0x47: {  	_ =	swait.ge [sflag:s4], $0x19000  }
0x48: {  	s21 =	sadd.s32 $0x19000, s26;
	[sflag:s4] =	ssyncset.done $0x0  }
0x49: {  	s28 =	ssub.s32 $0x2, s22;
	s20 =	sadd.s32 s23, s21;
	[sflag:s4] =	ssyncadd.s32 $0xFFFE7000  }
0x4a: {  	[tilespmem:s2], [sflag:$0x1] =	stream.linear.gather [hbm4b:s20+s2], $0x19000, $0x38;
	[tilespmem:$0x19000] =	vst v63  }
0x4b: {  	s29 =	sshrl.u32 s28, $0x1;
	_ =	swait.ge [sflag:s4], $0x19000  }
0x4c: {  	p0 =	seq.s32 s24, $0x3;
	s28 =	ssub.s32 s28, s29;
	[sflag:s4] =	ssyncset.done $0x0  }
0x4d: {  	s24 =	simm.s32 @!p0 $0x0;
	s21 =	sadd.s32 s25, s21;
	[sflag:s4] =	ssyncadd.s32 $0xFFFE7000  }
0x4e: {  	[hbm4b:s21+s2] =	stream.linear.scatter [tilespmem:s2], [sflag:$0x1], $0x19000, $0x38;
	[tilespmem:$0x19000] =	vst v63  }
0x4f: {  	s28 =	smax.u32 s28, $0x1;
	s26 =	sadd.s32 $0x1C200, s26;
	_ =	swait.ge [sflag:s4], $0x19000  }
0x50: {  	s22 =	sadd.s32 s23, s26;
	s23 =	simm.s32 @!p0 $0x1;
	[sflag:s4] =	ssyncset.done $0x0  }
0x51: {  	s25 =	sadd.s32 s25, s26;
	s26 =	sadd.s32 $0xFFFFFFFF, s28;
	[sflag:s4] =	ssyncadd.s32 $0xFFFE7000  }
0x52: {  	[tilespmem:s24], [sflag:$0x1] =	stream.linear.gather @!p0 [hbm4b:s22+s24], $0x19000, $0x38;
	[tilespmem:$0x19000] =	vst v63  }
0x53: {  	p1 =	sne.s32 s26, $0x0;
	_ =	swait.ge @!p0 [sflag:s23], $0x19000  }
.Ltmp0:
0x54: {  	[sflag:s23] =	ssyncset.done @!p0 $0x0;
	(pc) =	sbr.rel @!p1 .LBB2_2-.Ltmp0, $4  }
0x55: {  	[sflag:s23] =	ssyncadd.s32 @!p0 $0xFFFE7000  }
0x56: {  	[hbm4b:s25+s24] =	stream.linear.scatter @!p0 [tilespmem:s24], [sflag:$0x1], $0x19000, $0x38;
	[tilespmem:$0x19000] =	vst v63  }
0x57: {  	_ =	swait.ge @!p0 [sflag:s23], $0x19000  }
0x58: {  	[sflag:s23] =	ssyncset.done @!p0 $0x0  }
.LBB2_1:
0x59: {  	s26 =	sadd.s32 $0xFFFFFFFF, s26;
	[sflag:s23] =	ssyncadd.s32 @!p0 $0xFFFE7000  }
0x5a: {  	[tilespmem:s2], [sflag:$0x1] =	stream.linear.gather [hbm4b:s3+s2], $0x19000, $0x38;
	[tilespmem:$0x19000] =	vst v63  }
0x5b: {  	p1 =	sne.s32 s26, $0x0;
	_ =	swait.ge [sflag:s4], $0x19000  }
0x5c: {  	[sflag:s4] =	ssyncset.done $0x0  }
0x5d: {  	[sflag:s4] =	ssyncadd.s32 $0xFFFE7000  }
0x5e: {  	[hbm4b:s5+s2] =	stream.linear.scatter [tilespmem:s2], [sflag:$0x1], $0x19000, $0x38;
	[tilespmem:$0x19000] =	vst v63  }
0x5f: {  	_ =	swait.ge [sflag:s4], $0x19000  }
0x60: {  	[sflag:s4] =	ssyncset.done $0x0  }
0x61: {  	[sflag:s4] =	ssyncadd.s32 $0xFFFE7000  }
0x62: {  	[tilespmem:s2], [sflag:$0x1] =	stream.linear.gather [hbm4b:s6+s2], $0x19000, $0x38;
	[tilespmem:$0x19000] =	vst v63  }
0x63: {  	_ =	swait.ge [sflag:s4], $0x19000  }
0x64: {  	[sflag:s4] =	ssyncset.done $0x0  }
0x65: {  	[sflag:s4] =	ssyncadd.s32 $0xFFFE7000  }
0x66: {  	[hbm4b:s7+s2] =	stream.linear.scatter [tilespmem:s2], [sflag:$0x1], $0x19000, $0x38;
	[tilespmem:$0x19000] =	vst v63  }
0x67: {  	_ =	swait.ge [sflag:s4], $0x19000  }
0x68: {  	[sflag:s4] =	ssyncset.done $0x0  }
0x69: {  	[sflag:s4] =	ssyncadd.s32 $0xFFFE7000  }
0x6a: {  	[tilespmem:s2], [sflag:$0x1] =	stream.linear.gather [hbm4b:s8+s2], $0x19000, $0x38;
	[tilespmem:$0x19000] =	vst v63  }
0x6b: {  	_ =	swait.ge [sflag:s4], $0x19000  }
0x6c: {  	[sflag:s4] =	ssyncset.done $0x0  }
0x6d: {  	[sflag:s4] =	ssyncadd.s32 $0xFFFE7000  }
0x6e: {  	[hbm4b:s9+s2] =	stream.linear.scatter [tilespmem:s2], [sflag:$0x1], $0x19000, $0x38;
	[tilespmem:$0x19000] =	vst v63  }
0x6f: {  	_ =	swait.ge [sflag:s4], $0x19000  }
0x70: {  	[sflag:s4] =	ssyncset.done $0x0  }
0x71: {  	[sflag:s4] =	ssyncadd.s32 $0xFFFE7000  }
0x72: {  	[tilespmem:s2], [sflag:$0x1] =	stream.linear.gather [hbm4b:s10+s2], $0x19000, $0x38;
	[tilespmem:$0x19000] =	vst v63  }
0x73: {  	_ =	swait.ge [sflag:s4], $0x19000  }
0x74: {  	[sflag:s4] =	ssyncset.done $0x0  }
0x75: {  	[sflag:s4] =	ssyncadd.s32 $0xFFFE7000  }
0x76: {  	[hbm4b:s11+s2] =	stream.linear.scatter [tilespmem:s2], [sflag:$0x1], $0x19000, $0x38;
	[tilespmem:$0x19000] =	vst v63  }
0x77: {  	_ =	swait.ge [sflag:s4], $0x19000  }
0x78: {  	[sflag:s4] =	ssyncset.done $0x0  }
0x79: {  	[sflag:s4] =	ssyncadd.s32 $0xFFFE7000  }
0x7a: {  	[tilespmem:s2], [sflag:$0x1] =	stream.linear.gather [hbm4b:s12+s2], $0x19000, $0x38;
	[tilespmem:$0x19000] =	vst v63  }
0x7b: {  	_ =	swait.ge [sflag:s4], $0x19000  }
0x7c: {  	[sflag:s4] =	ssyncset.done $0x0  }
0x7d: {  	[sflag:s4] =	ssyncadd.s32 $0xFFFE7000  }
0x7e: {  	[hbm4b:s13+s2] =	stream.linear.scatter [tilespmem:s2], [sflag:$0x1], $0x19000, $0x38;
	[tilespmem:$0x19000] =	vst v63  }
0x7f: {  	_ =	swait.ge [sflag:s4], $0x19000  }
0x80: {  	[sflag:s4] =	ssyncset.done $0x0  }
0x81: {  	[sflag:s4] =	ssyncadd.s32 $0xFFFE7000  }
0x82: {  	[tilespmem:s2], [sflag:$0x1] =	stream.linear.gather [hbm4b:s14+s2], $0x19000, $0x38;
	[tilespmem:$0x19000] =	vst v63  }
0x83: {  	_ =	swait.ge [sflag:s4], $0x19000  }
0x84: {  	[sflag:s4] =	ssyncset.done $0x0  }
0x85: {  	[sflag:s4] =	ssyncadd.s32 $0xFFFE7000  }
0x86: {  	[hbm4b:s15+s2] =	stream.linear.scatter [tilespmem:s2], [sflag:$0x1], $0x19000, $0x38;
	[tilespmem:$0x19000] =	vst v63  }
0x87: {  	_ =	swait.ge [sflag:s4], $0x19000  }
0x88: {  	[sflag:s4] =	ssyncset.done $0x0  }
0x89: {  	[sflag:s4] =	ssyncadd.s32 $0xFFFE7000  }
0x8a: {  	[tilespmem:s2], [sflag:$0x1] =	stream.linear.gather [hbm4b:s16+s2], $0x19000, $0x38;
	[tilespmem:$0x19000] =	vst v63  }
0x8b: {  	_ =	swait.ge [sflag:s4], $0x19000  }
0x8c: {  	[sflag:s4] =	ssyncset.done $0x0  }
0x8d: {  	[sflag:s4] =	ssyncadd.s32 $0xFFFE7000  }
0x8e: {  	[hbm4b:s17+s2] =	stream.linear.scatter [tilespmem:s2], [sflag:$0x1], $0x19000, $0x38;
	[tilespmem:$0x19000] =	vst v63  }
0x8f: {  	_ =	swait.ge [sflag:s4], $0x19000  }
0x90: {  	[sflag:s4] =	ssyncset.done $0x0  }
0x91: {  	[sflag:s4] =	ssyncadd.s32 $0xFFFE7000  }
0x92: {  	[tilespmem:s2], [sflag:$0x1] =	stream.linear.gather [hbm4b:s18+s2], $0x19000, $0x38;
	[tilespmem:$0x19000] =	vst v63  }
0x93: {  	_ =	swait.ge [sflag:s4], $0x19000  }
0x94: {  	[sflag:s4] =	ssyncset.done $0x0  }
0x95: {  	[sflag:s4] =	ssyncadd.s32 $0xFFFE7000  }
0x96: {  	[hbm4b:s19+s2] =	stream.linear.scatter [tilespmem:s2], [sflag:$0x1], $0x19000, $0x38;
	[tilespmem:$0x19000] =	vst v63  }
0x97: {  	_ =	swait.ge [sflag:s4], $0x19000  }
0x98: {  	[sflag:s4] =	ssyncset.done $0x0  }
0x99: {  	[sflag:s4] =	ssyncadd.s32 $0xFFFE7000  }
0x9a: {  	[tilespmem:s2], [sflag:$0x1] =	stream.linear.gather [hbm4b:s20+s2], $0x19000, $0x38;
	[tilespmem:$0x19000] =	vst v63  }
0x9b: {  	_ =	swait.ge [sflag:s4], $0x19000  }
0x9c: {  	[sflag:s4] =	ssyncset.done $0x0  }
0x9d: {  	[sflag:s4] =	ssyncadd.s32 $0xFFFE7000  }
0x9e: {  	[hbm4b:s21+s2] =	stream.linear.scatter [tilespmem:s2], [sflag:$0x1], $0x19000, $0x38;
	[tilespmem:$0x19000] =	vst v63  }
0x9f: {  	_ =	swait.ge [sflag:s4], $0x19000  }
0xa0: {  	[sflag:s4] =	ssyncset.done $0x0  }
0xa1: {  	[sflag:s4] =	ssyncadd.s32 $0xFFFE7000  }
0xa2: {  	[tilespmem:s24], [sflag:$0x1] =	stream.linear.gather @!p0 [hbm4b:s22+s24], $0x19000, $0x38;
	[tilespmem:$0x19000] =	vst v63  }
0xa3: {  	_ =	swait.ge @!p0 [sflag:s23], $0x19000  }
.Ltmp1:
0xa4: {  	[sflag:s23] =	ssyncset.done @!p0 $0x0;
	(pc) =	sbr.rel @p1 .LBB2_1-.Ltmp1, $4  }
0xa5: {  	[sflag:s23] =	ssyncadd.s32 @!p0 $0xFFFE7000  }
0xa6: {  	[hbm4b:s25+s24] =	stream.linear.scatter @!p0 [tilespmem:s24], [sflag:$0x1], $0x19000, $0x38;
	[tilespmem:$0x19000] =	vst v63  }
0xa7: {  	_ =	swait.ge @!p0 [sflag:s23], $0x19000  }
0xa8: {  	[sflag:s23] =	ssyncset.done @!p0 $0x0  }
.LBB2_2:
0xa9: {  	[sflag:s23] =	ssyncadd.s32 @!p0 $0xFFFE7000  }
0xaa: {  	_ =	sfence.sel $0x180000  }
0xab: {  	[bflag:$0x0] =	sbarrier.arrive $0xFFFF  }
0xac: {  	p0 =	sne.s32 s0, $0x0;
	_ =	strace $0x90000047  }
0xad: {  	s0 =	sadd.s32 @!p0 $0x100000, s1;
	[bflag:$0x2] =	sbarrier.arrive $0xFFFF  }
0xae: {  	[sflag:s0] =	ssyncadd.tile.s32 @!p0 $0x1;
	_ =	shalt  }
.Lfunc_end2:
_tile_overlayer_lowered:
.L_overlay_start_2:
0xaf: {  	(tag) =	ssettag $0x2  }
0xb0: {  	s0 =	rddreg [dreg:$0x0];
	s2 =	stileid.u32  }
0xb1: {  	s1 =	rddreg [dreg:$0x1];
	p0 =	sne.s32 s2, $0x0  }
0xb2: {  	s3 =	rddreg [dreg:$0x2];
	[bflag:$0x3] =	sbarrier.arrive $0xFFFF;
	s2 =	simm.s32 @!p0 $0x1C01  }
0xb3: {  	[timem:s3], [sflag:s2] =	dma.local @!p0 [hbm:s0], s1  }
0xb4: {  	s0 =	simm.s32 @!p0 $0x1  }
0xb5: {  	_ =	swait.ge @!p0 [sflag:s0], s1  }
0xb6: {  	s1 =	ssub.s32 @!p0 $0x0, s1;
	[sflag:s0] =	ssyncset.done @!p0 $0x0  }
0xb7: {  	[sflag:s0] =	ssyncadd.s32 @!p0 s1  }
0xb8: {  	[bflag:$0x3] =	sbarrier.arrive $0xFFFF  }
0xb9: {  	_ =	shalt  }

</sc_bundles>
